<compile_context>
chip_gen: v7x
topology: tpu7x:2x2x1
jax: 0.10.2.dev20260603
libtpu: 0.0.44.dev20260713+nightly
codegen_flags: <defaults>
</compile_context>

<pallas_src>
import functools

import jax
import jax.numpy as jnp
from jax import lax
from jax.experimental import pallas as pl
from jax.experimental.pallas import tpu as pltpu
from jax.experimental.pallas import tpu_sc as plsc

_VOCAB = 100000
_EMBED = 64
_BATCH = 4096
_CTX = 20

_NC = 2
_NS = 16
_NW = _NC * _NS
_RPW = _BATCH // _NW
_CH = 64
_NCH = _RPW // _CH

_BB = 1024
_NB = _BATCH // _BB
_VT = 2048
_NV = -(-_VOCAB // _VT)
_VPAD = _NV * _VT


def _sc_embed_sigmoid(x_flat, emb):
  mesh = plsc.VectorSubcoreMesh(core_axis_name="c", subcore_axis_name="s")

  @functools.partial(
      pl.kernel,
      mesh=mesh,
      out_type=jax.ShapeDtypeStruct((_BATCH, _EMBED), jnp.float32),
      compiler_params=pltpu.CompilerParams(use_tc_tiling_on_sc=False),
      scratch_types=[
          pltpu.VMEM((_RPW * _CTX,), jnp.int32),
          pltpu.VMEM((_CH * _CTX, _EMBED), jnp.float32),
          pltpu.VMEM((_RPW, _EMBED), jnp.float32),
          pltpu.SemaphoreType.DMA,
      ],
  )
  def k(x_hbm, emb_hbm, out_hbm, idx_v, rows_v, out_v, sem):
    wid = lax.axis_index("s") * _NC + lax.axis_index("c")
    base = wid * _RPW
    pltpu.sync_copy(x_hbm.at[pl.ds(base * _CTX, _RPW * _CTX)], idx_v)
    for c in range(_NCH):
      pltpu.async_copy(
          emb_hbm.at[idx_v.at[pl.ds(c * _CH * _CTX, _CH * _CTX)]],
          rows_v, sem).wait()

      def row(i, _, c=c):
        for l in range(_EMBED // 16):
          sl = pl.ds(l * 16, 16)
          acc = rows_v[i * _CTX, sl]
          for j in range(1, _CTX):
            acc = acc + rows_v[i * _CTX + j, sl]
          out_v[c * _CH + i, sl] = 1.0 / (1.0 + jnp.exp(-acc))
        return 0

      lax.fori_loop(0, _CH, row, 0)
    pltpu.sync_copy(out_v, out_hbm.at[pl.ds(base, _RPW)])

  return k(x_flat, emb)


def _logits_tile(sig_ref, w_ref, b_ref):
  return lax.dot_general(
      sig_ref[...], w_ref[...], (((1,), (1,)), ((), ())),
      preferred_element_type=jnp.float32) + b_ref[...]


def _logz_body(sig_ref, w_ref, b_ref, logz_ref, m_acc, s_acc):
  v = pl.program_id(1)

  @pl.when(v == 0)
  def _():
    m_acc[...] = jnp.full(m_acc.shape, -jnp.inf, jnp.float32)
    s_acc[...] = jnp.zeros(s_acc.shape, jnp.float32)

  logits = _logits_tile(sig_ref, w_ref, b_ref)
  m_tile = jnp.max(logits, axis=1, keepdims=True)
  m_old = m_acc[...]
  m_new = jnp.maximum(m_old, m_tile)
  s_acc[...] = s_acc[...] * jnp.exp(m_old - m_new) + jnp.sum(
      jnp.exp(logits - m_new), axis=1, keepdims=True)
  m_acc[...] = m_new

  @pl.when(v == _NV - 1)
  def _():
    logz_ref[...] = m_acc[...] + jnp.log(s_acc[...])


def _out_body(sig_ref, w_ref, b_ref, logz_ref, out_ref):
  out_ref[...] = _logits_tile(sig_ref, w_ref, b_ref) - logz_ref[...]


def kernel(x, emb, W, b):
  sig = _sc_embed_sigmoid(x.reshape(-1).astype(jnp.int32), emb)
  sig16 = sig.astype(jnp.bfloat16)
  w16 = jnp.pad(W, ((0, _VPAD - _VOCAB), (0, 0))).astype(jnp.bfloat16)
  b2 = jnp.pad(b, (0, _VPAD - _VOCAB),
               constant_values=-1e30).reshape(1, _VPAD)
  logz = pl.pallas_call(
      _logz_body,
      grid=(_NB, _NV),
      in_specs=[
          pl.BlockSpec((_BB, _EMBED), lambda i, j: (i, 0)),
          pl.BlockSpec((_VT, _EMBED), lambda i, j: (j, 0)),
          pl.BlockSpec((1, _VT), lambda i, j: (0, j)),
      ],
      out_specs=pl.BlockSpec((_BB, 1), lambda i, j: (i, 0)),
      out_shape=jax.ShapeDtypeStruct((_BATCH, 1), jnp.float32),
      scratch_shapes=[
          pltpu.VMEM((_BB, 1), jnp.float32),
          pltpu.VMEM((_BB, 1), jnp.float32),
      ],
  )(sig16, w16, b2)
  out = pl.pallas_call(
      _out_body,
      grid=(_NB, _NV),
      in_specs=[
          pl.BlockSpec((_BB, _EMBED), lambda i, j: (i, 0)),
          pl.BlockSpec((_VT, _EMBED), lambda i, j: (j, 0)),
          pl.BlockSpec((1, _VT), lambda i, j: (0, j)),
          pl.BlockSpec((_BB, 1), lambda i, j: (i, 0)),
      ],
      out_specs=pl.BlockSpec((_BB, _VT), lambda i, j: (i, j)),
      out_shape=jax.ShapeDtypeStruct((_BATCH, _VOCAB), jnp.float32),
  )(sig16, w16, b2, logz)
  return out

# --- scband reference (transcript-rebuilt; emitter-appended) ---
"""Pipeline reference for scband-cbow-58969900974792 (READ-ONLY COPY).

The authoritative reference and input builder live on the scoring server;
editing this copy changes nothing except your own understanding.
"""

import jax, jax.numpy as jnp
import numpy as np

VOCAB = 100000
EMBED = 64
BATCH = 4096
CTX = 20

def setup_inputs(seed: int = 0) -> dict:
    key = jax.random.key(seed)
    k1, k2, k3, k4 = jax.random.split(key, 4)
    x = jax.random.randint(k1, (BATCH, CTX), 0, VOCAB, dtype=jnp.int64) if jax.config.jax_enable_x64 else jax.random.randint(k1, (BATCH, CTX), 0, VOCAB, dtype=jnp.int32)
    emb = jax.random.normal(k2, (VOCAB, EMBED), dtype=jnp.float32)
    W = jax.random.normal(k3, (VOCAB, EMBED), dtype=jnp.float32) * (1.0 / np.sqrt(EMBED))
    b = jax.random.normal(k4, (VOCAB,), dtype=jnp.float32) * 0.01
    return {"x": x, "emb": emb, "W": W, "b": b}

def reference(x, emb, W, b):
    # embedding lookup: [B, CTX, E]
    e = jnp.take(emb, x, axis=0)
    # sum over context dim: [B, E]
    s = jnp.sum(e, axis=1)
    # sigmoid
    sig = jax.nn.sigmoid(s)
    # linear to vocab: [B, V]
    logits = sig @ W.T + b
    # log softmax over vocab dim
    probs = jax.nn.log_softmax(logits, axis=-1)
    return probs

if __name__ == "__main__":
    import jax
    _d = setup_inputs()
    print(jax.jit(kernel)(*tuple(_d.values())))

</pallas_src>

<mosaic_0001>
#map = affine_map<(d0, d1) -> (0)>
#map1 = affine_map<(d0, d1) -> (0, 0)>
module attributes {stable_mosaic.version = 14 : i64} {
  func.func @k(%arg0: i32, %arg1: i32, %arg2: memref<81920xi32, #tpu.memory_space<hbm>>, %arg3: memref<100000x64xf32, #tpu.memory_space<hbm>>, %arg4: memref<4096x64xf32, #tpu.memory_space<hbm>>, %arg5: memref<2560xi32, #tpu.memory_space<vmem>>, %arg6: memref<1280x64xf32, #tpu.memory_space<vmem>>, %arg7: memref<128x64xf32, #tpu.memory_space<vmem>>, %arg8: memref<!tpu.dma_semaphore, #tpu.memory_space<semaphore_mem>>) attributes {dimension_semantics = [#tpu.dimension_semantics<core_parallel>, #tpu.dimension_semantics<subcore_parallel>], iteration_bounds = array<i64: 2, 16>, scalar_prefetch = 0 : i64, scratch_operands = 4 : i64, tpu.core_type = #tpu.core_type<sc_vector_subcore>, window_params = [{transform_indices = #map}, {transform_indices = #map1}, {transform_indices = #map1}]} {
    %mul3A = arith.constant 2 : i32
    %mul3A_0 = arith.muli %arg1, %mul3A : i32
    %add3A = arith.addi %mul3A_0, %arg0 : i32
    %mul3A_1 = arith.constant 128 : i32
    %mul3A_2 = arith.muli %add3A, %mul3A_1 : i32
    %mul3A_3 = arith.constant 20 : i32
    %mul3A_4 = arith.muli %mul3A_2, %mul3A_3 : i32
    "tpu.region"() ({
      %run_scoped3A = tpu.sem_alloc : memref<!tpu.dma_semaphore, #tpu.memory_space<semaphore_mem>>
      %dma_start3A_36 = tpu.memref_slice %arg2[%mul3A_4] : memref<81920xi32, #tpu.memory_space<hbm>> -> memref<2560xi32, #tpu.memory_space<hbm>>
      %dma_start3A_37 = tpu.memref_slice %arg2[%mul3A_4] : memref<81920xi32, #tpu.memory_space<hbm>> -> memref<2560xi32, #tpu.memory_space<hbm>>
      tpu.enqueue_dma source(%dma_start3A_37 : memref<2560xi32, #tpu.memory_space<hbm>>) target(%arg5 : memref<2560xi32, #tpu.memory_space<vmem>>) target_semaphore(%run_scoped3A : memref<!tpu.dma_semaphore, #tpu.memory_space<semaphore_mem>>)
      %dma_wait3A_38 = tpu.memref_slice %arg2[%mul3A_4] : memref<81920xi32, #tpu.memory_space<hbm>> -> memref<2560xi32, #tpu.memory_space<hbm>>
      %dma_wait3A_39 = tpu.memref_slice %arg2[%mul3A_4] : memref<81920xi32, #tpu.memory_space<hbm>> -> memref<2560xi32, #tpu.memory_space<hbm>>
      tpu.wait_dma2 semaphore(%run_scoped3A : memref<!tpu.dma_semaphore, #tpu.memory_space<semaphore_mem>>) src(%dma_wait3A_39 : memref<2560xi32, #tpu.memory_space<hbm>>) dst(%arg5 : memref<2560xi32, #tpu.memory_space<vmem>>)
      tpu.yield
    }) : () -> ()
    %dma_start3A = arith.constant 0 : i32
    %dma_start3A_5 = tpu.memref_slice %arg5[%dma_start3A] : memref<2560xi32, #tpu.memory_space<vmem>> -> memref<1280xi32, #tpu.memory_space<vmem>>
    %dma_start3A_6 = arith.constant 0 : i32
    %dma_start3A_7 = arith.constant 0 : i32
    %dma_start3A_8 = tpu.memref_slice %arg3[%dma_start3A_6, %dma_start3A_7] : memref<100000x64xf32, #tpu.memory_space<hbm>> -> memref<100000x64xf32, #tpu.memory_space<hbm>>
    tpu.enqueue_indirect_dma source(%dma_start3A_8 : memref<100000x64xf32, #tpu.memory_space<hbm>>) target(%arg6 : memref<1280x64xf32, #tpu.memory_space<vmem>>) offsets(%dma_start3A_5 : memref<1280xi32, #tpu.memory_space<vmem>>) semaphore(%arg8 : memref<!tpu.dma_semaphore, #tpu.memory_space<semaphore_mem>>)
    %dma_wait3A = arith.constant 0 : i32
    %dma_wait3A_9 = tpu.memref_slice %arg5[%dma_wait3A] : memref<2560xi32, #tpu.memory_space<vmem>> -> memref<1280xi32, #tpu.memory_space<vmem>>
    %dma_wait3A_10 = arith.constant 0 : i32
    %dma_wait3A_11 = arith.constant 0 : i32
    %dma_wait3A_12 = tpu.memref_slice %arg3[%dma_wait3A_10, %dma_wait3A_11] : memref<100000x64xf32, #tpu.memory_space<hbm>> -> memref<100000x64xf32, #tpu.memory_space<hbm>>
    tpu.wait_indirect_dma semaphore(%arg8 : memref<!tpu.dma_semaphore, #tpu.memory_space<semaphore_mem>>) src(%dma_wait3A_12 : memref<100000x64xf32, #tpu.memory_space<hbm>>) dst(%arg6 : memref<1280x64xf32, #tpu.memory_space<vmem>>)
    %scan3A = arith.constant 0 : i32
    %scan3A_13 = arith.constant 0 : i32
    %scan3A_14 = arith.constant 64 : i32
    %scan3A_15 = arith.addi %scan3A_13, %scan3A_14 : i32
    %scan3A_16 = arith.constant 1 : i32
    %scan3A_17 = scf.for %scan3A_36 = %scan3A_13 to %scan3A_15 step %scan3A_16 iter_args(%scan3A_37 = %scan3A) -> (i32)  : i32 {
      %mul3A_38 = arith.constant 20 : i32
      %mul3A_39 = arith.muli %scan3A_36, %mul3A_38 : i32
      %get3A = arith.index_cast %mul3A_39 : i32 to index
      %get3A_40 = arith.constant 0 : index
      %get3A_41 = tpu.vector_load %arg6[%get3A, %get3A_40] {strides = array<i32>} : memref<1280x64xf32, #tpu.memory_space<vmem>>, vector<1x16xf32>,
      %get3A_42 = vector.shape_cast %get3A_41 : vector<1x16xf32> to vector<16xf32>
      %mul3A_43 = arith.constant 20 : i32
      %mul3A_44 = arith.muli %scan3A_36, %mul3A_43 : i32
      %add3A_45 = arith.constant 1 : i32
      %add3A_46 = arith.addi %mul3A_44, %add3A_45 : i32
      %get3A_47 = arith.index_cast %add3A_46 : i32 to index
      %get3A_48 = arith.constant 0 : index
      %get3A_49 = tpu.vector_load %arg6[%get3A_47, %get3A_48] {strides = array<i32>} : memref<1280x64xf32, #tpu.memory_space<vmem>>, vector<1x16xf32>,
      %get3A_50 = vector.shape_cast %get3A_49 : vector<1x16xf32> to vector<16xf32>
      %add3A_51 = arith.addf %get3A_42, %get3A_50 : vector<16xf32>
      %mul3A_52 = arith.constant 20 : i32
      %mul3A_53 = arith.muli %scan3A_36, %mul3A_52 : i32
      %add3A_54 = arith.constant 2 : i32
      %add3A_55 = arith.addi %mul3A_53, %add3A_54 : i32
      %get3A_56 = arith.index_cast %add3A_55 : i32 to index
      %get3A_57 = arith.constant 0 : index
      %get3A_58 = tpu.vector_load %arg6[%get3A_56, %get3A_57] {strides = array<i32>} : memref<1280x64xf32, #tpu.memory_space<vmem>>, vector<1x16xf32>,
      %get3A_59 = vector.shape_cast %get3A_58 : vector<1x16xf32> to vector<16xf32>
      %add3A_60 = arith.addf %add3A_51, %get3A_59 : vector<16xf32>
      %mul3A_61 = arith.constant 20 : i32
      %mul3A_62 = arith.muli %scan3A_36, %mul3A_61 : i32
      %add3A_63 = arith.constant 3 : i32
      %add3A_64 = arith.addi %mul3A_62, %add3A_63 : i32
      %get3A_65 = arith.index_cast %add3A_64 : i32 to index
      %get3A_66 = arith.constant 0 : index
      %get3A_67 = tpu.vector_load %arg6[%get3A_65, %get3A_66] {strides = array<i32>} : memref<1280x64xf32, #tpu.memory_space<vmem>>, vector<1x16xf32>,
      %get3A_68 = vector.shape_cast %get3A_67 : vector<1x16xf32> to vector<16xf32>
      %add3A_69 = arith.addf %add3A_60, %get3A_68 : vector<16xf32>
      %mul3A_70 = arith.constant 20 : i32
      %mul3A_71 = arith.muli %scan3A_36, %mul3A_70 : i32
      %add3A_72 = arith.constant 4 : i32
      %add3A_73 = arith.addi %mul3A_71, %add3A_72 : i32
      %get3A_74 = arith.index_cast %add3A_73 : i32 to index
      %get3A_75 = arith.constant 0 : index
      %get3A_76 = tpu.vector_load %arg6[%get3A_74, %get3A_75] {strides = array<i32>} : memref<1280x64xf32, #tpu.memory_space<vmem>>, vector<1x16xf32>,
      %get3A_77 = vector.shape_cast %get3A_76 : vector<1x16xf32> to vector<16xf32>
      %add3A_78 = arith.addf %add3A_69, %get3A_77 : vector<16xf32>
      %mul3A_79 = arith.constant 20 : i32
      %mul3A_80 = arith.muli %scan3A_36, %mul3A_79 : i32
      %add3A_81 = arith.constant 5 : i32
      %add3A_82 = arith.addi %mul3A_80, %add3A_81 : i32
      %get3A_83 = arith.index_cast %add3A_82 : i32 to index
      %get3A_84 = arith.constant 0 : index
      %get3A_85 = tpu.vector_load %arg6[%get3A_83, %get3A_84] {strides = array<i32>} : memref<1280x64xf32, #tpu.memory_space<vmem>>, vector<1x16xf32>,
      %get3A_86 = vector.shape_cast %get3A_85 : vector<1x16xf32> to vector<16xf32>
      %add3A_87 = arith.addf %add3A_78, %get3A_86 : vector<16xf32>
      %mul3A_88 = arith.constant 20 : i32
      %mul3A_89 = arith.muli %scan3A_36, %mul3A_88 : i32
      %add3A_90 = arith.constant 6 : i32
      %add3A_91 = arith.addi %mul3A_89, %add3A_90 : i32
      %get3A_92 = arith.index_cast %add3A_91 : i32 to index
      %get3A_93 = arith.constant 0 : index
      %get3A_94 = tpu.vector_load %arg6[%get3A_92, %get3A_93] {strides = array<i32>} : memref<1280x64xf32, #tpu.memory_space<vmem>>, vector<1x16xf32>,
      %get3A_95 = vector.shape_cast %get3A_94 : vector<1x16xf32> to vector<16xf32>
      %add3A_96 = arith.addf %add3A_87, %get3A_95 : vector<16xf32>
      %mul3A_97 = arith.constant 20 : i32
      %mul3A_98 = arith.muli %scan3A_36, %mul3A_97 : i32
      %add3A_99 = arith.constant 7 : i32
      %add3A_100 = arith.addi %mul3A_98, %add3A_99 : i32
      %get3A_101 = arith.index_cast %add3A_100 : i32 to index
      %get3A_102 = arith.constant 0 : index
      %get3A_103 = tpu.vector_load %arg6[%get3A_101, %get3A_102] {strides = array<i32>} : memref<1280x64xf32, #tpu.memory_space<vmem>>, vector<1x16xf32>,
      %get3A_104 = vector.shape_cast %get3A_103 : vector<1x16xf32> to vector<16xf32>
      %add3A_105 = arith.addf %add3A_96, %get3A_104 : vector<16xf32>
      %mul3A_106 = arith.constant 20 : i32
      %mul3A_107 = arith.muli %scan3A_36, %mul3A_106 : i32
      %add3A_108 = arith.constant 8 : i32
      %add3A_109 = arith.addi %mul3A_107, %add3A_108 : i32
      %get3A_110 = arith.index_cast %add3A_109 : i32 to index
      %get3A_111 = arith.constant 0 : index
      %get3A_112 = tpu.vector_load %arg6[%get3A_110, %get3A_111] {strides = array<i32>} : memref<1280x64xf32, #tpu.memory_space<vmem>>, vector<1x16xf32>,
      %get3A_113 = vector.shape_cast %get3A_112 : vector<1x16xf32> to vector<16xf32>
      %add3A_114 = arith.addf %add3A_105, %get3A_113 : vector<16xf32>
      %mul3A_115 = arith.constant 20 : i32
      %mul3A_116 = arith.muli %scan3A_36, %mul3A_115 : i32
      %add3A_117 = arith.constant 9 : i32
      %add3A_118 = arith.addi %mul3A_116, %add3A_117 : i32
      %get3A_119 = arith.index_cast %add3A_118 : i32 to index
      %get3A_120 = arith.constant 0 : index
      %get3A_121 = tpu.vector_load %arg6[%get3A_119, %get3A_120] {strides = array<i32>} : memref<1280x64xf32, #tpu.memory_space<vmem>>, vector<1x16xf32>,
      %get3A_122 = vector.shape_cast %get3A_121 : vector<1x16xf32> to vector<16xf32>
      %add3A_123 = arith.addf %add3A_114, %get3A_122 : vector<16xf32>
      %mul3A_124 = arith.constant 20 : i32
      %mul3A_125 = arith.muli %scan3A_36, %mul3A_124 : i32
      %add3A_126 = arith.constant 10 : i32
      %add3A_127 = arith.addi %mul3A_125, %add3A_126 : i32
      %get3A_128 = arith.index_cast %add3A_127 : i32 to index
      %get3A_129 = arith.constant 0 : index
      %get3A_130 = tpu.vector_load %arg6[%get3A_128, %get3A_129] {strides = array<i32>} : memref<1280x64xf32, #tpu.memory_space<vmem>>, vector<1x16xf32>,
      %get3A_131 = vector.shape_cast %get3A_130 : vector<1x16xf32> to vector<16xf32>
      %add3A_132 = arith.addf %add3A_123, %get3A_131 : vector<16xf32>
      %mul3A_133 = arith.constant 20 : i32
      %mul3A_134 = arith.muli %scan3A_36, %mul3A_133 : i32
      %add3A_135 = arith.constant 11 : i32
      %add3A_136 = arith.addi %mul3A_134, %add3A_135 : i32
      %get3A_137 = arith.index_cast %add3A_136 : i32 to index
      %get3A_138 = arith.constant 0 : index
      %get3A_139 = tpu.vector_load %arg6[%get3A_137, %get3A_138] {strides = array<i32>} : memref<1280x64xf32, #tpu.memory_space<vmem>>, vector<1x16xf32>,
      %get3A_140 = vector.shape_cast %get3A_139 : vector<1x16xf32> to vector<16xf32>
      %add3A_141 = arith.addf %add3A_132, %get3A_140 : vector<16xf32>
      %mul3A_142 = arith.constant 20 : i32
      %mul3A_143 = arith.muli %scan3A_36, %mul3A_142 : i32
      %add3A_144 = arith.constant 12 : i32
      %add3A_145 = arith.addi %mul3A_143, %add3A_144 : i32
      %get3A_146 = arith.index_cast %add3A_145 : i32 to index
      %get3A_147 = arith.constant 0 : index
      %get3A_148 = tpu.vector_load %arg6[%get3A_146, %get3A_147] {strides = array<i32>} : memref<1280x64xf32, #tpu.memory_space<vmem>>, vector<1x16xf32>,
      %get3A_149 = vector.shape_cast %get3A_148 : vector<1x16xf32> to vector<16xf32>
      %add3A_150 = arith.addf %add3A_141, %get3A_149 : vector<16xf32>
      %mul3A_151 = arith.constant 20 : i32
      %mul3A_152 = arith.muli %scan3A_36, %mul3A_151 : i32
      %add3A_153 = arith.constant 13 : i32
      %add3A_154 = arith.addi %mul3A_152, %add3A_153 : i32
      %get3A_155 = arith.index_cast %add3A_154 : i32 to index
      %get3A_156 = arith.constant 0 : index
      %get3A_157 = tpu.vector_load %arg6[%get3A_155, %get3A_156] {strides = array<i32>} : memref<1280x64xf32, #tpu.memory_space<vmem>>, vector<1x16xf32>,
      %get3A_158 = vector.shape_cast %get3A_157 : vector<1x16xf32> to vector<16xf32>
      %add3A_159 = arith.addf %add3A_150, %get3A_158 : vector<16xf32>
      %mul3A_160 = arith.constant 20 : i32
      %mul3A_161 = arith.muli %scan3A_36, %mul3A_160 : i32
      %add3A_162 = arith.constant 14 : i32
      %add3A_163 = arith.addi %mul3A_161, %add3A_162 : i32
      %get3A_164 = arith.index_cast %add3A_163 : i32 to index
      %get3A_165 = arith.constant 0 : index
      %get3A_166 = tpu.vector_load %arg6[%get3A_164, %get3A_165] {strides = array<i32>} : memref<1280x64xf32, #tpu.memory_space<vmem>>, vector<1x16xf32>,
      %get3A_167 = vector.shape_cast %get3A_166 : vector<1x16xf32> to vector<16xf32>
      %add3A_168 = arith.addf %add3A_159, %get3A_167 : vector<16xf32>
      %mul3A_169 = arith.constant 20 : i32
      %mul3A_170 = arith.muli %scan3A_36, %mul3A_169 : i32
      %add3A_171 = arith.constant 15 : i32
      %add3A_172 = arith.addi %mul3A_170, %add3A_171 : i32
      %get3A_173 = arith.index_cast %add3A_172 : i32 to index
      %get3A_174 = arith.constant 0 : index
      %get3A_175 = tpu.vector_load %arg6[%get3A_173, %get3A_174] {strides = array<i32>} : memref<1280x64xf32, #tpu.memory_space<vmem>>, vector<1x16xf32>,
      %get3A_176 = vector.shape_cast %get3A_175 : vector<1x16xf32> to vector<16xf32>
      %add3A_177 = arith.addf %add3A_168, %get3A_176 : vector<16xf32>
      %mul3A_178 = arith.constant 20 : i32
      %mul3A_179 = arith.muli %scan3A_36, %mul3A_178 : i32
      %add3A_180 = arith.constant 16 : i32
      %add3A_181 = arith.addi %mul3A_179, %add3A_180 : i32
      %get3A_182 = arith.index_cast %add3A_181 : i32 to index
      %get3A_183 = arith.constant 0 : index
      %get3A_184 = tpu.vector_load %arg6[%get3A_182, %get3A_183] {strides = array<i32>} : memref<1280x64xf32, #tpu.memory_space<vmem>>, vector<1x16xf32>,
      %get3A_185 = vector.shape_cast %get3A_184 : vector<1x16xf32> to vector<16xf32>
      %add3A_186 = arith.addf %add3A_177, %get3A_185 : vector<16xf32>
      %mul3A_187 = arith.constant 20 : i32
      %mul3A_188 = arith.muli %scan3A_36, %mul3A_187 : i32
      %add3A_189 = arith.constant 17 : i32
      %add3A_190 = arith.addi %mul3A_188, %add3A_189 : i32
      %get3A_191 = arith.index_cast %add3A_190 : i32 to index
      %get3A_192 = arith.constant 0 : index
      %get3A_193 = tpu.vector_load %arg6[%get3A_191, %get3A_192] {strides = array<i32>} : memref<1280x64xf32, #tpu.memory_space<vmem>>, vector<1x16xf32>,
      %get3A_194 = vector.shape_cast %get3A_193 : vector<1x16xf32> to vector<16xf32>
      %add3A_195 = arith.addf %add3A_186, %get3A_194 : vector<16xf32>
      %mul3A_196 = arith.constant 20 : i32
      %mul3A_197 = arith.muli %scan3A_36, %mul3A_196 : i32
      %add3A_198 = arith.constant 18 : i32
      %add3A_199 = arith.addi %mul3A_197, %add3A_198 : i32
      %get3A_200 = arith.index_cast %add3A_199 : i32 to index
      %get3A_201 = arith.constant 0 : index
      %get3A_202 = tpu.vector_load %arg6[%get3A_200, %get3A_201] {strides = array<i32>} : memref<1280x64xf32, #tpu.memory_space<vmem>>, vector<1x16xf32>,
      %get3A_203 = vector.shape_cast %get3A_202 : vector<1x16xf32> to vector<16xf32>
      %add3A_204 = arith.addf %add3A_195, %get3A_203 : vector<16xf32>
      %mul3A_205 = arith.constant 20 : i32
      %mul3A_206 = arith.muli %scan3A_36, %mul3A_205 : i32
      %add3A_207 = arith.constant 19 : i32
      %add3A_208 = arith.addi %mul3A_206, %add3A_207 : i32
      %get3A_209 = arith.index_cast %add3A_208 : i32 to index
      %get3A_210 = arith.constant 0 : index
      %get3A_211 = tpu.vector_load %arg6[%get3A_209, %get3A_210] {strides = array<i32>} : memref<1280x64xf32, #tpu.memory_space<vmem>>, vector<1x16xf32>,
      %get3A_212 = vector.shape_cast %get3A_211 : vector<1x16xf32> to vector<16xf32>
      %add3A_213 = arith.addf %add3A_204, %get3A_212 : vector<16xf32>
      %neg3A = arith.constant 0.000000e+00 : f32
      %neg3A_214 = vector.broadcast %neg3A : f32 to vector<16xf32>
      %neg3A_215 = arith.subf %neg3A_214, %add3A_213 : vector<16xf32>
      %exp3A = math.exp %neg3A_215 : vector<16xf32>
      %add3A_216 = arith.constant 1.000000e+00 : f32
      %add3A_217 = vector.broadcast %add3A_216 : f32 to vector<16xf32>
      %add3A_218 = arith.addf %add3A_217, %exp3A : vector<16xf32>
      %div3A = arith.constant 1.000000e+00 : f32
      %div3A_219 = vector.broadcast %div3A : f32 to vector<16xf32>
      %div3A_220 = arith.divf %div3A_219, %add3A_218 : vector<16xf32>
      %add3A_221 = arith.constant 0 : i32
      %add3A_222 = arith.addi %add3A_221, %scan3A_36 : i32
      %swap3A = arith.index_cast %add3A_222 : i32 to index
      %swap3A_223 = arith.constant 0 : index
      %swap3A_224 = tpu.vector_load %arg7[%swap3A, %swap3A_223] {strides = array<i32>} : memref<128x64xf32, #tpu.memory_space<vmem>>, vector<1x16xf32>,
      %swap3A_225 = vector.shape_cast %swap3A_224 : vector<1x16xf32> to vector<16xf32>
      %swap3A_226 = vector.shape_cast %div3A_220 : vector<16xf32> to vector<1x16xf32>
      tpu.vector_store %arg7[%swap3A, %swap3A_223], %swap3A_226 {strides = array<i32>} : memref<128x64xf32, #tpu.memory_space<vmem>>, vector<1x16xf32>,
      %mul3A_227 = arith.constant 20 : i32
      %mul3A_228 = arith.muli %scan3A_36, %mul3A_227 : i32
      %get3A_229 = arith.index_cast %mul3A_228 : i32 to index
      %get3A_230 = arith.constant 16 : index
      %get3A_231 = tpu.vector_load %arg6[%get3A_229, %get3A_230] {strides = array<i32>} : memref<1280x64xf32, #tpu.memory_space<vmem>>, vector<1x16xf32>,
      %get3A_232 = vector.shape_cast %get3A_231 : vector<1x16xf32> to vector<16xf32>
      %mul3A_233 = arith.constant 20 : i32
      %mul3A_234 = arith.muli %scan3A_36, %mul3A_233 : i32
      %add3A_235 = arith.constant 1 : i32
      %add3A_236 = arith.addi %mul3A_234, %add3A_235 : i32
      %get3A_237 = arith.index_cast %add3A_236 : i32 to index
      %get3A_238 = arith.constant 16 : index
      %get3A_239 = tpu.vector_load %arg6[%get3A_237, %get3A_238] {strides = array<i32>} : memref<1280x64xf32, #tpu.memory_space<vmem>>, vector<1x16xf32>,
      %get3A_240 = vector.shape_cast %get3A_239 : vector<1x16xf32> to vector<16xf32>
      %add3A_241 = arith.addf %get3A_232, %get3A_240 : vector<16xf32>
      %mul3A_242 = arith.constant 20 : i32
      %mul3A_243 = arith.muli %scan3A_36, %mul3A_242 : i32
      %add3A_244 = arith.constant 2 : i32
      %add3A_245 = arith.addi %mul3A_243, %add3A_244 : i32
      %get3A_246 = arith.index_cast %add3A_245 : i32 to index
      %get3A_247 = arith.constant 16 : index
      %get3A_248 = tpu.vector_load %arg6[%get3A_246, %get3A_247] {strides = array<i32>} : memref<1280x64xf32, #tpu.memory_space<vmem>>, vector<1x16xf32>,
      %get3A_249 = vector.shape_cast %get3A_248 : vector<1x16xf32> to vector<16xf32>
      %add3A_250 = arith.addf %add3A_241, %get3A_249 : vector<16xf32>
      %mul3A_251 = arith.constant 20 : i32
      %mul3A_252 = arith.muli %scan3A_36, %mul3A_251 : i32
      %add3A_253 = arith.constant 3 : i32
      %add3A_254 = arith.addi %mul3A_252, %add3A_253 : i32
      %get3A_255 = arith.index_cast %add3A_254 : i32 to index
      %get3A_256 = arith.constant 16 : index
      %get3A_257 = tpu.vector_load %arg6[%get3A_255, %get3A_256] {strides = array<i32>} : memref<1280x64xf32, #tpu.memory_space<vmem>>, vector<1x16xf32>,
      %get3A_258 = vector.shape_cast %get3A_257 : vector<1x16xf32> to vector<16xf32>
      %add3A_259 = arith.addf %add3A_250, %get3A_258 : vector<16xf32>
      %mul3A_260 = arith.constant 20 : i32
      %mul3A_261 = arith.muli %scan3A_36, %mul3A_260 : i32
      %add3A_262 = arith.constant 4 : i32
      %add3A_263 = arith.addi %mul3A_261, %add3A_262 : i32
      %get3A_264 = arith.index_cast %add3A_263 : i32 to index
      %get3A_265 = arith.constant 16 : index
      %get3A_266 = tpu.vector_load %arg6[%get3A_264, %get3A_265] {strides = array<i32>} : memref<1280x64xf32, #tpu.memory_space<vmem>>, vector<1x16xf32>,
      %get3A_267 = vector.shape_cast %get3A_266 : vector<1x16xf32> to vector<16xf32>
      %add3A_268 = arith.addf %add3A_259, %get3A_267 : vector<16xf32>
      %mul3A_269 = arith.constant 20 : i32
      %mul3A_270 = arith.muli %scan3A_36, %mul3A_269 : i32
      %add3A_271 = arith.constant 5 : i32
      %add3A_272 = arith.addi %mul3A_270, %add3A_271 : i32
      %get3A_273 = arith.index_cast %add3A_272 : i32 to index
      %get3A_274 = arith.constant 16 : index
      %get3A_275 = tpu.vector_load %arg6[%get3A_273, %get3A_274] {strides = array<i32>} : memref<1280x64xf32, #tpu.memory_space<vmem>>, vector<1x16xf32>,
      %get3A_276 = vector.shape_cast %get3A_275 : vector<1x16xf32> to vector<16xf32>
      %add3A_277 = arith.addf %add3A_268, %get3A_276 : vector<16xf32>
      %mul3A_278 = arith.constant 20 : i32
      %mul3A_279 = arith.muli %scan3A_36, %mul3A_278 : i32
      %add3A_280 = arith.constant 6 : i32
      %add3A_281 = arith.addi %mul3A_279, %add3A_280 : i32
      %get3A_282 = arith.index_cast %add3A_281 : i32 to index
      %get3A_283 = arith.constant 16 : index
      %get3A_284 = tpu.vector_load %arg6[%get3A_282, %get3A_283] {strides = array<i32>} : memref<1280x64xf32, #tpu.memory_space<vmem>>, vector<1x16xf32>,
      %get3A_285 = vector.shape_cast %get3A_284 : vector<1x16xf32> to vector<16xf32>
      %add3A_286 = arith.addf %add3A_277, %get3A_285 : vector<16xf32>
      %mul3A_287 = arith.constant 20 : i32
      %mul3A_288 = arith.muli %scan3A_36, %mul3A_287 : i32
      %add3A_289 = arith.constant 7 : i32
      %add3A_290 = arith.addi %mul3A_288, %add3A_289 : i32
      %get3A_291 = arith.index_cast %add3A_290 : i32 to index
      %get3A_292 = arith.constant 16 : index
      %get3A_293 = tpu.vector_load %arg6[%get3A_291, %get3A_292] {strides = array<i32>} : memref<1280x64xf32, #tpu.memory_space<vmem>>, vector<1x16xf32>,
      %get3A_294 = vector.shape_cast %get3A_293 : vector<1x16xf32> to vector<16xf32>
      %add3A_295 = arith.addf %add3A_286, %get3A_294 : vector<16xf32>
      %mul3A_296 = arith.constant 20 : i32
      %mul3A_297 = arith.muli %scan3A_36, %mul3A_296 : i32
      %add3A_298 = arith.constant 8 : i32
      %add3A_299 = arith.addi %mul3A_297, %add3A_298 : i32
      %get3A_300 = arith.index_cast %add3A_299 : i32 to index
      %get3A_301 = arith.constant 16 : index
      %get3A_302 = tpu.vector_load %arg6[%get3A_300, %get3A_301] {strides = array<i32>} : memref<1280x64xf32, #tpu.memory_space<vmem>>, vector<1x16xf32>,
      %get3A_303 = vector.shape_cast %get3A_302 : vector<1x16xf32> to vector<16xf32>
      %add3A_304 = arith.addf %add3A_295, %get3A_303 : vector<16xf32>
      %mul3A_305 = arith.constant 20 : i32
      %mul3A_306 = arith.muli %scan3A_36, %mul3A_305 : i32
      %add3A_307 = arith.constant 9 : i32
      %add3A_308 = arith.addi %mul3A_306, %add3A_307 : i32
      %get3A_309 = arith.index_cast %add3A_308 : i32 to index
      %get3A_310 = arith.constant 16 : index
      %get3A_311 = tpu.vector_load %arg6[%get3A_309, %get3A_310] {strides = array<i32>} : memref<1280x64xf32, #tpu.memory_space<vmem>>, vector<1x16xf32>,
      %get3A_312 = vector.shape_cast %get3A_311 : vector<1x16xf32> to vector<16xf32>
      %add3A_313 = arith.addf %add3A_304, %get3A_312 : vector<16xf32>
      %mul3A_314 = arith.constant 20 : i32
      %mul3A_315 = arith.muli %scan3A_36, %mul3A_314 : i32
      %add3A_316 = arith.constant 10 : i32
      %add3A_317 = arith.addi %mul3A_315, %add3A_316 : i32
      %get3A_318 = arith.index_cast %add3A_317 : i32 to index
      %get3A_319 = arith.constant 16 : index
      %get3A_320 = tpu.vector_load %arg6[%get3A_318, %get3A_319] {strides = array<i32>} : memref<1280x64xf32, #tpu.memory_space<vmem>>, vector<1x16xf32>,
      %get3A_321 = vector.shape_cast %get3A_320 : vector<1x16xf32> to vector<16xf32>
      %add3A_322 = arith.addf %add3A_313, %get3A_321 : vector<16xf32>
      %mul3A_323 = arith.constant 20 : i32
      %mul3A_324 = arith.muli %scan3A_36, %mul3A_323 : i32
      %add3A_325 = arith.constant 11 : i32
      %add3A_326 = arith.addi %mul3A_324, %add3A_325 : i32
      %get3A_327 = arith.index_cast %add3A_326 : i32 to index
      %get3A_328 = arith.constant 16 : index
      %get3A_329 = tpu.vector_load %arg6[%get3A_327, %get3A_328] {strides = array<i32>} : memref<1280x64xf32, #tpu.memory_space<vmem>>, vector<1x16xf32>,
      %get3A_330 = vector.shape_cast %get3A_329 : vector<1x16xf32> to vector<16xf32>
      %add3A_331 = arith.addf %add3A_322, %get3A_330 : vector<16xf32>
      %mul3A_332 = arith.constant 20 : i32
      %mul3A_333 = arith.muli %scan3A_36, %mul3A_332 : i32
      %add3A_334 = arith.constant 12 : i32
      %add3A_335 = arith.addi %mul3A_333, %add3A_334 : i32
      %get3A_336 = arith.index_cast %add3A_335 : i32 to index
      %get3A_337 = arith.constant 16 : index
      %get3A_338 = tpu.vector_load %arg6[%get3A_336, %get3A_337] {strides = array<i32>} : memref<1280x64xf32, #tpu.memory_space<vmem>>, vector<1x16xf32>,
      %get3A_339 = vector.shape_cast %get3A_338 : vector<1x16xf32> to vector<16xf32>
      %add3A_340 = arith.addf %add3A_331, %get3A_339 : vector<16xf32>
      %mul3A_341 = arith.constant 20 : i32
      %mul3A_342 = arith.muli %scan3A_36, %mul3A_341 : i32
      %add3A_343 = arith.constant 13 : i32
      %add3A_344 = arith.addi %mul3A_342, %add3A_343 : i32
      %get3A_345 = arith.index_cast %add3A_344 : i32 to index
      %get3A_346 = arith.constant 16 : index
      %get3A_347 = tpu.vector_load %arg6[%get3A_345, %get3A_346] {strides = array<i32>} : memref<1280x64xf32, #tpu.memory_space<vmem>>, vector<1x16xf32>,
      %get3A_348 = vector.shape_cast %get3A_347 : vector<1x16xf32> to vector<16xf32>
      %add3A_349 = arith.addf %add3A_340, %get3A_348 : vector<16xf32>
      %mul3A_350 = arith.constant 20 : i32
      %mul3A_351 = arith.muli %scan3A_36, %mul3A_350 : i32
      %add3A_352 = arith.constant 14 : i32
      %add3A_353 = arith.addi %mul3A_351, %add3A_352 : i32
      %get3A_354 = arith.index_cast %add3A_353 : i32 to index
      %get3A_355 = arith.constant 16 : index
      %get3A_356 = tpu.vector_load %arg6[%get3A_354, %get3A_355] {strides = array<i32>} : memref<1280x64xf32, #tpu.memory_space<vmem>>, vector<1x16xf32>,
      %get3A_357 = vector.shape_cast %get3A_356 : vector<1x16xf32> to vector<16xf32>
      %add3A_358 = arith.addf %add3A_349, %get3A_357 : vector<16xf32>
      %mul3A_359 = arith.constant 20 : i32
      %mul3A_360 = arith.muli %scan3A_36, %mul3A_359 : i32
      %add3A_361 = arith.constant 15 : i32
      %add3A_362 = arith.addi %mul3A_360, %add3A_361 : i32
      %get3A_363 = arith.index_cast %add3A_362 : i32 to index
      %get3A_364 = arith.constant 16 : index
      %get3A_365 = tpu.vector_load %arg6[%get3A_363, %get3A_364] {strides = array<i32>} : memref<1280x64xf32, #tpu.memory_space<vmem>>, vector<1x16xf32>,
      %get3A_366 = vector.shape_cast %get3A_365 : vector<1x16xf32> to vector<16xf32>
      %add3A_367 = arith.addf %add3A_358, %get3A_366 : vector<16xf32>
      %mul3A_368 = arith.constant 20 : i32
      %mul3A_369 = arith.muli %scan3A_36, %mul3A_368 : i32
      %add3A_370 = arith.constant 16 : i32
      %add3A_371 = arith.addi %mul3A_369, %add3A_370 : i32
      %get3A_372 = arith.index_cast %add3A_371 : i32 to index
      %get3A_373 = arith.constant 16 : index
      %get3A_374 = tpu.vector_load %arg6[%get3A_372, %get3A_373] {strides = array<i32>} : memref<1280x64xf32, #tpu.memory_space<vmem>>, vector<1x16xf32>,
      %get3A_375 = vector.shape_cast %get3A_374 : vector<1x16xf32> to vector<16xf32>
      %add3A_376 = arith.addf %add3A_367, %get3A_375 : vector<16xf32>
      %mul3A_377 = arith.constant 20 : i32
      %mul3A_378 = arith.muli %scan3A_36, %mul3A_377 : i32
      %add3A_379 = arith.constant 17 : i32
      %add3A_380 = arith.addi %mul3A_378, %add3A_379 : i32
      %get3A_381 = arith.index_cast %add3A_380 : i32 to index
      %get3A_382 = arith.constant 16 : index
      %get3A_383 = tpu.vector_load %arg6[%get3A_381, %get3A_382] {strides = array<i32>} : memref<1280x64xf32, #tpu.memory_space<vmem>>, vector<1x16xf32>,
      %get3A_384 = vector.shape_cast %get3A_383 : vector<1x16xf32> to vector<16xf32>
      %add3A_385 = arith.addf %add3A_376, %get3A_384 : vector<16xf32>
      %mul3A_386 = arith.constant 20 : i32
      %mul3A_387 = arith.muli %scan3A_36, %mul3A_386 : i32
      %add3A_388 = arith.constant 18 : i32
      %add3A_389 = arith.addi %mul3A_387, %add3A_388 : i32
      %get3A_390 = arith.index_cast %add3A_389 : i32 to index
      %get3A_391 = arith.constant 16 : index
      %get3A_392 = tpu.vector_load %arg6[%get3A_390, %get3A_391] {strides = array<i32>} : memref<1280x64xf32, #tpu.memory_space<vmem>>, vector<1x16xf32>,
      %get3A_393 = vector.shape_cast %get3A_392 : vector<1x16xf32> to vector<16xf32>
      %add3A_394 = arith.addf %add3A_385, %get3A_393 : vector<16xf32>
      %mul3A_395 = arith.constant 20 : i32
      %mul3A_396 = arith.muli %scan3A_36, %mul3A_395 : i32
      %add3A_397 = arith.constant 19 : i32
      %add3A_398 = arith.addi %mul3A_396, %add3A_397 : i32
      %get3A_399 = arith.index_cast %add3A_398 : i32 to index
      %get3A_400 = arith.constant 16 : index
      %get3A_401 = tpu.vector_load %arg6[%get3A_399, %get3A_400] {strides = array<i32>} : memref<1280x64xf32, #tpu.memory_space<vmem>>, vector<1x16xf32>,
      %get3A_402 = vector.shape_cast %get3A_401 : vector<1x16xf32> to vector<16xf32>
      %add3A_403 = arith.addf %add3A_394, %get3A_402 : vector<16xf32>
      %neg3A_404 = arith.constant 0.000000e+00 : f32
      %neg3A_405 = vector.broadcast %neg3A_404 : f32 to vector<16xf32>
      %neg3A_406 = arith.subf %neg3A_405, %add3A_403 : vector<16xf32>
      %exp3A_407 = math.exp %neg3A_406 : vector<16xf32>
      %add3A_408 = arith.constant 1.000000e+00 : f32
      %add3A_409 = vector.broadcast %add3A_408 : f32 to vector<16xf32>
      %add3A_410 = arith.addf %add3A_409, %exp3A_407 : vector<16xf32>
      %div3A_411 = arith.constant 1.000000e+00 : f32
      %div3A_412 = vector.broadcast %div3A_411 : f32 to vector<16xf32>
      %div3A_413 = arith.divf %div3A_412, %add3A_410 : vector<16xf32>
      %add3A_414 = arith.constant 0 : i32
      %add3A_415 = arith.addi %add3A_414, %scan3A_36 : i32
      %swap3A_416 = arith.index_cast %add3A_415 : i32 to index
      %swap3A_417 = arith.constant 16 : index
      %swap3A_418 = tpu.vector_load %arg7[%swap3A_416, %swap3A_417] {strides = array<i32>} : memref<128x64xf32, #tpu.memory_space<vmem>>, vector<1x16xf32>,
      %swap3A_419 = vector.shape_cast %swap3A_418 : vector<1x16xf32> to vector<16xf32>
      %swap3A_420 = vector.shape_cast %div3A_413 : vector<16xf32> to vector<1x16xf32>
      tpu.vector_store %arg7[%swap3A_416, %swap3A_417], %swap3A_420 {strides = array<i32>} : memref<128x64xf32, #tpu.memory_space<vmem>>, vector<1x16xf32>,
      %mul3A_421 = arith.constant 20 : i32
      %mul3A_422 = arith.muli %scan3A_36, %mul3A_421 : i32
      %get3A_423 = arith.index_cast %mul3A_422 : i32 to index
      %get3A_424 = arith.constant 32 : index
      %get3A_425 = tpu.vector_load %arg6[%get3A_423, %get3A_424] {strides = array<i32>} : memref<1280x64xf32, #tpu.memory_space<vmem>>, vector<1x16xf32>,
      %get3A_426 = vector.shape_cast %get3A_425 : vector<1x16xf32> to vector<16xf32>
      %mul3A_427 = arith.constant 20 : i32
      %mul3A_428 = arith.muli %scan3A_36, %mul3A_427 : i32
      %add3A_429 = arith.constant 1 : i32
      %add3A_430 = arith.addi %mul3A_428, %add3A_429 : i32
      %get3A_431 = arith.index_cast %add3A_430 : i32 to index
      %get3A_432 = arith.constant 32 : index
      %get3A_433 = tpu.vector_load %arg6[%get3A_431, %get3A_432] {strides = array<i32>} : memref<1280x64xf32, #tpu.memory_space<vmem>>, vector<1x16xf32>,
      %get3A_434 = vector.shape_cast %get3A_433 : vector<1x16xf32> to vector<16xf32>
      %add3A_435 = arith.addf %get3A_426, %get3A_434 : vector<16xf32>
      %mul3A_436 = arith.constant 20 : i32
      %mul3A_437 = arith.muli %scan3A_36, %mul3A_436 : i32
      %add3A_438 = arith.constant 2 : i32
      %add3A_439 = arith.addi %mul3A_437, %add3A_438 : i32
      %get3A_440 = arith.index_cast %add3A_439 : i32 to index
      %get3A_441 = arith.constant 32 : index
      %get3A_442 = tpu.vector_load %arg6[%get3A_440, %get3A_441] {strides = array<i32>} : memref<1280x64xf32, #tpu.memory_space<vmem>>, vector<1x16xf32>,
      %get3A_443 = vector.shape_cast %get3A_442 : vector<1x16xf32> to vector<16xf32>
      %add3A_444 = arith.addf %add3A_435, %get3A_443 : vector<16xf32>
      %mul3A_445 = arith.constant 20 : i32
      %mul3A_446 = arith.muli %scan3A_36, %mul3A_445 : i32
      %add3A_447 = arith.constant 3 : i32
      %add3A_448 = arith.addi %mul3A_446, %add3A_447 : i32
      %get3A_449 = arith.index_cast %add3A_448 : i32 to index
      %get3A_450 = arith.constant 32 : index
      %get3A_451 = tpu.vector_load %arg6[%get3A_449, %get3A_450] {strides = array<i32>} : memref<1280x64xf32, #tpu.memory_space<vmem>>, vector<1x16xf32>,
      %get3A_452 = vector.shape_cast %get3A_451 : vector<1x16xf32> to vector<16xf32>
      %add3A_453 = arith.addf %add3A_444, %get3A_452 : vector<16xf32>
      %mul3A_454 = arith.constant 20 : i32
      %mul3A_455 = arith.muli %scan3A_36, %mul3A_454 : i32
      %add3A_456 = arith.constant 4 : i32
      %add3A_457 = arith.addi %mul3A_455, %add3A_456 : i32
      %get3A_458 = arith.index_cast %add3A_457 : i32 to index
      %get3A_459 = arith.constant 32 : index
      %get3A_460 = tpu.vector_load %arg6[%get3A_458, %get3A_459] {strides = array<i32>} : memref<1280x64xf32, #tpu.memory_space<vmem>>, vector<1x16xf32>,
      %get3A_461 = vector.shape_cast %get3A_460 : vector<1x16xf32> to vector<16xf32>
      %add3A_462 = arith.addf %add3A_453, %get3A_461 : vector<16xf32>
      %mul3A_463 = arith.constant 20 : i32
      %mul3A_464 = arith.muli %scan3A_36, %mul3A_463 : i32
      %add3A_465 = arith.constant 5 : i32
      %add3A_466 = arith.addi %mul3A_464, %add3A_465 : i32
      %get3A_467 = arith.index_cast %add3A_466 : i32 to index
      %get3A_468 = arith.constant 32 : index
      %get3A_469 = tpu.vector_load %arg6[%get3A_467, %get3A_468] {strides = array<i32>} : memref<1280x64xf32, #tpu.memory_space<vmem>>, vector<1x16xf32>,
      %get3A_470 = vector.shape_cast %get3A_469 : vector<1x16xf32> to vector<16xf32>
      %add3A_471 = arith.addf %add3A_462, %get3A_470 : vector<16xf32>
      %mul3A_472 = arith.constant 20 : i32
      %mul3A_473 = arith.muli %scan3A_36, %mul3A_472 : i32
      %add3A_474 = arith.constant 6 : i32
      %add3A_475 = arith.addi %mul3A_473, %add3A_474 : i32
      %get3A_476 = arith.index_cast %add3A_475 : i32 to index
      %get3A_477 = arith.constant 32 : index
      %get3A_478 = tpu.vector_load %arg6[%get3A_476, %get3A_477] {strides = array<i32>} : memref<1280x64xf32, #tpu.memory_space<vmem>>, vector<1x16xf32>,
      %get3A_479 = vector.shape_cast %get3A_478 : vector<1x16xf32> to vector<16xf32>
      %add3A_480 = arith.addf %add3A_471, %get3A_479 : vector<16xf32>
      %mul3A_481 = arith.constant 20 : i32
      %mul3A_482 = arith.muli %scan3A_36, %mul3A_481 : i32
      %add3A_483 = arith.constant 7 : i32
      %add3A_484 = arith.addi %mul3A_482, %add3A_483 : i32
      %get3A_485 = arith.index_cast %add3A_484 : i32 to index
      %get3A_486 = arith.constant 32 : index
      %get3A_487 = tpu.vector_load %arg6[%get3A_485, %get3A_486] {strides = array<i32>} : memref<1280x64xf32, #tpu.memory_space<vmem>>, vector<1x16xf32>,
      %get3A_488 = vector.shape_cast %get3A_487 : vector<1x16xf32> to vector<16xf32>
      %add3A_489 = arith.addf %add3A_480, %get3A_488 : vector<16xf32>
      %mul3A_490 = arith.constant 20 : i32
      %mul3A_491 = arith.muli %scan3A_36, %mul3A_490 : i32
      %add3A_492 = arith.constant 8 : i32
      %add3A_493 = arith.addi %mul3A_491, %add3A_492 : i32
      %get3A_494 = arith.index_cast %add3A_493 : i32 to index
      %get3A_495 = arith.constant 32 : index
      %get3A_496 = tpu.vector_load %arg6[%get3A_494, %get3A_495] {strides = array<i32>} : memref<1280x64xf32, #tpu.memory_space<vmem>>, vector<1x16xf32>,
      %get3A_497 = vector.shape_cast %get3A_496 : vector<1x16xf32> to vector<16xf32>
      %add3A_498 = arith.addf %add3A_489, %get3A_497 : vector<16xf32>
      %mul3A_499 = arith.constant 20 : i32
      %mul3A_500 = arith.muli %scan3A_36, %mul3A_499 : i32
      %add3A_501 = arith.constant 9 : i32
      %add3A_502 = arith.addi %mul3A_500, %add3A_501 : i32
      %get3A_503 = arith.index_cast %add3A_502 : i32 to index
      %get3A_504 = arith.constant 32 : index
      %get3A_505 = tpu.vector_load %arg6[%get3A_503, %get3A_504] {strides = array<i32>} : memref<1280x64xf32, #tpu.memory_space<vmem>>, vector<1x16xf32>,
      %get3A_506 = vector.shape_cast %get3A_505 : vector<1x16xf32> to vector<16xf32>
      %add3A_507 = arith.addf %add3A_498, %get3A_506 : vector<16xf32>
      %mul3A_508 = arith.constant 20 : i32
      %mul3A_509 = arith.muli %scan3A_36, %mul3A_508 : i32
      %add3A_510 = arith.constant 10 : i32
      %add3A_511 = arith.addi %mul3A_509, %add3A_510 : i32
      %get3A_512 = arith.index_cast %add3A_511 : i32 to index
      %get3A_513 = arith.constant 32 : index
      %get3A_514 = tpu.vector_load %arg6[%get3A_512, %get3A_513] {strides = array<i32>} : memref<1280x64xf32, #tpu.memory_space<vmem>>, vector<1x16xf32>,
      %get3A_515 = vector.shape_cast %get3A_514 : vector<1x16xf32> to vector<16xf32>
      %add3A_516 = arith.addf %add3A_507, %get3A_515 : vector<16xf32>
      %mul3A_517 = arith.constant 20 : i32
      %mul3A_518 = arith.muli %scan3A_36, %mul3A_517 : i32
      %add3A_519 = arith.constant 11 : i32
      %add3A_520 = arith.addi %mul3A_518, %add3A_519 : i32
      %get3A_521 = arith.index_cast %add3A_520 : i32 to index
      %get3A_522 = arith.constant 32 : index
      %get3A_523 = tpu.vector_load %arg6[%get3A_521, %get3A_522] {strides = array<i32>} : memref<1280x64xf32, #tpu.memory_space<vmem>>, vector<1x16xf32>,
      %get3A_524 = vector.shape_cast %get3A_523 : vector<1x16xf32> to vector<16xf32>
      %add3A_525 = arith.addf %add3A_516, %get3A_524 : vector<16xf32>
      %mul3A_526 = arith.constant 20 : i32
      %mul3A_527 = arith.muli %scan3A_36, %mul3A_526 : i32
      %add3A_528 = arith.constant 12 : i32
      %add3A_529 = arith.addi %mul3A_527, %add3A_528 : i32
      %get3A_530 = arith.index_cast %add3A_529 : i32 to index
      %get3A_531 = arith.constant 32 : index
      %get3A_532 = tpu.vector_load %arg6[%get3A_530, %get3A_531] {strides = array<i32>} : memref<1280x64xf32, #tpu.memory_space<vmem>>, vector<1x16xf32>,
      %get3A_533 = vector.shape_cast %get3A_532 : vector<1x16xf32> to vector<16xf32>
      %add3A_534 = arith.addf %add3A_525, %get3A_533 : vector<16xf32>
      %mul3A_535 = arith.constant 20 : i32
      %mul3A_536 = arith.muli %scan3A_36, %mul3A_535 : i32
      %add3A_537 = arith.constant 13 : i32
      %add3A_538 = arith.addi %mul3A_536, %add3A_537 : i32
      %get3A_539 = arith.index_cast %add3A_538 : i32 to index
      %get3A_540 = arith.constant 32 : index
      %get3A_541 = tpu.vector_load %arg6[%get3A_539, %get3A_540] {strides = array<i32>} : memref<1280x64xf32, #tpu.memory_space<vmem>>, vector<1x16xf32>,
      %get3A_542 = vector.shape_cast %get3A_541 : vector<1x16xf32> to vector<16xf32>
      %add3A_543 = arith.addf %add3A_534, %get3A_542 : vector<16xf32>
      %mul3A_544 = arith.constant 20 : i32
      %mul3A_545 = arith.muli %scan3A_36, %mul3A_544 : i32
      %add3A_546 = arith.constant 14 : i32
      %add3A_547 = arith.addi %mul3A_545, %add3A_546 : i32
      %get3A_548 = arith.index_cast %add3A_547 : i32 to index
      %get3A_549 = arith.constant 32 : index
      %get3A_550 = tpu.vector_load %arg6[%get3A_548, %get3A_549] {strides = array<i32>} : memref<1280x64xf32, #tpu.memory_space<vmem>>, vector<1x16xf32>,
      %get3A_551 = vector.shape_cast %get3A_550 : vector<1x16xf32> to vector<16xf32>
      %add3A_552 = arith.addf %add3A_543, %get3A_551 : vector<16xf32>
      %mul3A_553 = arith.constant 20 : i32
      %mul3A_554 = arith.muli %scan3A_36, %mul3A_553 : i32
      %add3A_555 = arith.constant 15 : i32
      %add3A_556 = arith.addi %mul3A_554, %add3A_555 : i32
      %get3A_557 = arith.index_cast %add3A_556 : i32 to index
      %get3A_558 = arith.constant 32 : index
      %get3A_559 = tpu.vector_load %arg6[%get3A_557, %get3A_558] {strides = array<i32>} : memref<1280x64xf32, #tpu.memory_space<vmem>>, vector<1x16xf32>,
      %get3A_560 = vector.shape_cast %get3A_559 : vector<1x16xf32> to vector<16xf32>
      %add3A_561 = arith.addf %add3A_552, %get3A_560 : vector<16xf32>
      %mul3A_562 = arith.constant 20 : i32
      %mul3A_563 = arith.muli %scan3A_36, %mul3A_562 : i32
      %add3A_564 = arith.constant 16 : i32
      %add3A_565 = arith.addi %mul3A_563, %add3A_564 : i32
      %get3A_566 = arith.index_cast %add3A_565 : i32 to index
      %get3A_567 = arith.constant 32 : index
      %get3A_568 = tpu.vector_load %arg6[%get3A_566, %get3A_567] {strides = array<i32>} : memref<1280x64xf32, #tpu.memory_space<vmem>>, vector<1x16xf32>,
      %get3A_569 = vector.shape_cast %get3A_568 : vector<1x16xf32> to vector<16xf32>
      %add3A_570 = arith.addf %add3A_561, %get3A_569 : vector<16xf32>
      %mul3A_571 = arith.constant 20 : i32
      %mul3A_572 = arith.muli %scan3A_36, %mul3A_571 : i32
      %add3A_573 = arith.constant 17 : i32
      %add3A_574 = arith.addi %mul3A_572, %add3A_573 : i32
      %get3A_575 = arith.index_cast %add3A_574 : i32 to index
      %get3A_576 = arith.constant 32 : index
      %get3A_577 = tpu.vector_load %arg6[%get3A_575, %get3A_576] {strides = array<i32>} : memref<1280x64xf32, #tpu.memory_space<vmem>>, vector<1x16xf32>,
      %get3A_578 = vector.shape_cast %get3A_577 : vector<1x16xf32> to vector<16xf32>
      %add3A_579 = arith.addf %add3A_570, %get3A_578 : vector<16xf32>
      %mul3A_580 = arith.constant 20 : i32
      %mul3A_581 = arith.muli %scan3A_36, %mul3A_580 : i32
      %add3A_582 = arith.constant 18 : i32
      %add3A_583 = arith.addi %mul3A_581, %add3A_582 : i32
      %get3A_584 = arith.index_cast %add3A_583 : i32 to index
      %get3A_585 = arith.constant 32 : index
      %get3A_586 = tpu.vector_load %arg6[%get3A_584, %get3A_585] {strides = array<i32>} : memref<1280x64xf32, #tpu.memory_space<vmem>>, vector<1x16xf32>,
      %get3A_587 = vector.shape_cast %get3A_586 : vector<1x16xf32> to vector<16xf32>
      %add3A_588 = arith.addf %add3A_579, %get3A_587 : vector<16xf32>
      %mul3A_589 = arith.constant 20 : i32
      %mul3A_590 = arith.muli %scan3A_36, %mul3A_589 : i32
      %add3A_591 = arith.constant 19 : i32
      %add3A_592 = arith.addi %mul3A_590, %add3A_591 : i32
      %get3A_593 = arith.index_cast %add3A_592 : i32 to index
      %get3A_594 = arith.constant 32 : index
      %get3A_595 = tpu.vector_load %arg6[%get3A_593, %get3A_594] {strides = array<i32>} : memref<1280x64xf32, #tpu.memory_space<vmem>>, vector<1x16xf32>,
      %get3A_596 = vector.shape_cast %get3A_595 : vector<1x16xf32> to vector<16xf32>
      %add3A_597 = arith.addf %add3A_588, %get3A_596 : vector<16xf32>
      %neg3A_598 = arith.constant 0.000000e+00 : f32
      %neg3A_599 = vector.broadcast %neg3A_598 : f32 to vector<16xf32>
      %neg3A_600 = arith.subf %neg3A_599, %add3A_597 : vector<16xf32>
      %exp3A_601 = math.exp %neg3A_600 : vector<16xf32>
      %add3A_602 = arith.constant 1.000000e+00 : f32
      %add3A_603 = vector.broadcast %add3A_602 : f32 to vector<16xf32>
      %add3A_604 = arith.addf %add3A_603, %exp3A_601 : vector<16xf32>
      %div3A_605 = arith.constant 1.000000e+00 : f32
      %div3A_606 = vector.broadcast %div3A_605 : f32 to vector<16xf32>
      %div3A_607 = arith.divf %div3A_606, %add3A_604 : vector<16xf32>
      %add3A_608 = arith.constant 0 : i32
      %add3A_609 = arith.addi %add3A_608, %scan3A_36 : i32
      %swap3A_610 = arith.index_cast %add3A_609 : i32 to index
      %swap3A_611 = arith.constant 32 : index
      %swap3A_612 = tpu.vector_load %arg7[%swap3A_610, %swap3A_611] {strides = array<i32>} : memref<128x64xf32, #tpu.memory_space<vmem>>, vector<1x16xf32>,
      %swap3A_613 = vector.shape_cast %swap3A_612 : vector<1x16xf32> to vector<16xf32>
      %swap3A_614 = vector.shape_cast %div3A_607 : vector<16xf32> to vector<1x16xf32>
      tpu.vector_store %arg7[%swap3A_610, %swap3A_611], %swap3A_614 {strides = array<i32>} : memref<128x64xf32, #tpu.memory_space<vmem>>, vector<1x16xf32>,
      %mul3A_615 = arith.constant 20 : i32
      %mul3A_616 = arith.muli %scan3A_36, %mul3A_615 : i32
      %get3A_617 = arith.index_cast %mul3A_616 : i32 to index
      %get3A_618 = arith.constant 48 : index
      %get3A_619 = tpu.vector_load %arg6[%get3A_617, %get3A_618] {strides = array<i32>} : memref<1280x64xf32, #tpu.memory_space<vmem>>, vector<1x16xf32>,
      %get3A_620 = vector.shape_cast %get3A_619 : vector<1x16xf32> to vector<16xf32>
      %mul3A_621 = arith.constant 20 : i32
      %mul3A_622 = arith.muli %scan3A_36, %mul3A_621 : i32
      %add3A_623 = arith.constant 1 : i32
      %add3A_624 = arith.addi %mul3A_622, %add3A_623 : i32
      %get3A_625 = arith.index_cast %add3A_624 : i32 to index
      %get3A_626 = arith.constant 48 : index
      %get3A_627 = tpu.vector_load %arg6[%get3A_625, %get3A_626] {strides = array<i32>} : memref<1280x64xf32, #tpu.memory_space<vmem>>, vector<1x16xf32>,
      %get3A_628 = vector.shape_cast %get3A_627 : vector<1x16xf32> to vector<16xf32>
      %add3A_629 = arith.addf %get3A_620, %get3A_628 : vector<16xf32>
      %mul3A_630 = arith.constant 20 : i32
      %mul3A_631 = arith.muli %scan3A_36, %mul3A_630 : i32
      %add3A_632 = arith.constant 2 : i32
      %add3A_633 = arith.addi %mul3A_631, %add3A_632 : i32
      %get3A_634 = arith.index_cast %add3A_633 : i32 to index
      %get3A_635 = arith.constant 48 : index
      %get3A_636 = tpu.vector_load %arg6[%get3A_634, %get3A_635] {strides = array<i32>} : memref<1280x64xf32, #tpu.memory_space<vmem>>, vector<1x16xf32>,
      %get3A_637 = vector.shape_cast %get3A_636 : vector<1x16xf32> to vector<16xf32>
      %add3A_638 = arith.addf %add3A_629, %get3A_637 : vector<16xf32>
      %mul3A_639 = arith.constant 20 : i32
      %mul3A_640 = arith.muli %scan3A_36, %mul3A_639 : i32
      %add3A_641 = arith.constant 3 : i32
      %add3A_642 = arith.addi %mul3A_640, %add3A_641 : i32
      %get3A_643 = arith.index_cast %add3A_642 : i32 to index
      %get3A_644 = arith.constant 48 : index
      %get3A_645 = tpu.vector_load %arg6[%get3A_643, %get3A_644] {strides = array<i32>} : memref<1280x64xf32, #tpu.memory_space<vmem>>, vector<1x16xf32>,
      %get3A_646 = vector.shape_cast %get3A_645 : vector<1x16xf32> to vector<16xf32>
      %add3A_647 = arith.addf %add3A_638, %get3A_646 : vector<16xf32>
      %mul3A_648 = arith.constant 20 : i32
      %mul3A_649 = arith.muli %scan3A_36, %mul3A_648 : i32
      %add3A_650 = arith.constant 4 : i32
      %add3A_651 = arith.addi %mul3A_649, %add3A_650 : i32
      %get3A_652 = arith.index_cast %add3A_651 : i32 to index
      %get3A_653 = arith.constant 48 : index
      %get3A_654 = tpu.vector_load %arg6[%get3A_652, %get3A_653] {strides = array<i32>} : memref<1280x64xf32, #tpu.memory_space<vmem>>, vector<1x16xf32>,
      %get3A_655 = vector.shape_cast %get3A_654 : vector<1x16xf32> to vector<16xf32>
      %add3A_656 = arith.addf %add3A_647, %get3A_655 : vector<16xf32>
      %mul3A_657 = arith.constant 20 : i32
      %mul3A_658 = arith.muli %scan3A_36, %mul3A_657 : i32
      %add3A_659 = arith.constant 5 : i32
      %add3A_660 = arith.addi %mul3A_658, %add3A_659 : i32
      %get3A_661 = arith.index_cast %add3A_660 : i32 to index
      %get3A_662 = arith.constant 48 : index
      %get3A_663 = tpu.vector_load %arg6[%get3A_661, %get3A_662] {strides = array<i32>} : memref<1280x64xf32, #tpu.memory_space<vmem>>, vector<1x16xf32>,
      %get3A_664 = vector.shape_cast %get3A_663 : vector<1x16xf32> to vector<16xf32>
      %add3A_665 = arith.addf %add3A_656, %get3A_664 : vector<16xf32>
      %mul3A_666 = arith.constant 20 : i32
      %mul3A_667 = arith.muli %scan3A_36, %mul3A_666 : i32
      %add3A_668 = arith.constant 6 : i32
      %add3A_669 = arith.addi %mul3A_667, %add3A_668 : i32
      %get3A_670 = arith.index_cast %add3A_669 : i32 to index
      %get3A_671 = arith.constant 48 : index
      %get3A_672 = tpu.vector_load %arg6[%get3A_670, %get3A_671] {strides = array<i32>} : memref<1280x64xf32, #tpu.memory_space<vmem>>, vector<1x16xf32>,
      %get3A_673 = vector.shape_cast %get3A_672 : vector<1x16xf32> to vector<16xf32>
      %add3A_674 = arith.addf %add3A_665, %get3A_673 : vector<16xf32>
      %mul3A_675 = arith.constant 20 : i32
      %mul3A_676 = arith.muli %scan3A_36, %mul3A_675 : i32
      %add3A_677 = arith.constant 7 : i32
      %add3A_678 = arith.addi %mul3A_676, %add3A_677 : i32
      %get3A_679 = arith.index_cast %add3A_678 : i32 to index
      %get3A_680 = arith.constant 48 : index
      %get3A_681 = tpu.vector_load %arg6[%get3A_679, %get3A_680] {strides = array<i32>} : memref<1280x64xf32, #tpu.memory_space<vmem>>, vector<1x16xf32>,
      %get3A_682 = vector.shape_cast %get3A_681 : vector<1x16xf32> to vector<16xf32>
      %add3A_683 = arith.addf %add3A_674, %get3A_682 : vector<16xf32>
      %mul3A_684 = arith.constant 20 : i32
      %mul3A_685 = arith.muli %scan3A_36, %mul3A_684 : i32
      %add3A_686 = arith.constant 8 : i32
      %add3A_687 = arith.addi %mul3A_685, %add3A_686 : i32
      %get3A_688 = arith.index_cast %add3A_687 : i32 to index
      %get3A_689 = arith.constant 48 : index
      %get3A_690 = tpu.vector_load %arg6[%get3A_688, %get3A_689] {strides = array<i32>} : memref<1280x64xf32, #tpu.memory_space<vmem>>, vector<1x16xf32>,
      %get3A_691 = vector.shape_cast %get3A_690 : vector<1x16xf32> to vector<16xf32>
      %add3A_692 = arith.addf %add3A_683, %get3A_691 : vector<16xf32>
      %mul3A_693 = arith.constant 20 : i32
      %mul3A_694 = arith.muli %scan3A_36, %mul3A_693 : i32
      %add3A_695 = arith.constant 9 : i32
      %add3A_696 = arith.addi %mul3A_694, %add3A_695 : i32
      %get3A_697 = arith.index_cast %add3A_696 : i32 to index
      %get3A_698 = arith.constant 48 : index
      %get3A_699 = tpu.vector_load %arg6[%get3A_697, %get3A_698] {strides = array<i32>} : memref<1280x64xf32, #tpu.memory_space<vmem>>, vector<1x16xf32>,
      %get3A_700 = vector.shape_cast %get3A_699 : vector<1x16xf32> to vector<16xf32>
      %add3A_701 = arith.addf %add3A_692, %get3A_700 : vector<16xf32>
      %mul3A_702 = arith.constant 20 : i32
      %mul3A_703 = arith.muli %scan3A_36, %mul3A_702 : i32
      %add3A_704 = arith.constant 10 : i32
      %add3A_705 = arith.addi %mul3A_703, %add3A_704 : i32
      %get3A_706 = arith.index_cast %add3A_705 : i32 to index
      %get3A_707 = arith.constant 48 : index
      %get3A_708 = tpu.vector_load %arg6[%get3A_706, %get3A_707] {strides = array<i32>} : memref<1280x64xf32, #tpu.memory_space<vmem>>, vector<1x16xf32>,
      %get3A_709 = vector.shape_cast %get3A_708 : vector<1x16xf32> to vector<16xf32>
      %add3A_710 = arith.addf %add3A_701, %get3A_709 : vector<16xf32>
      %mul3A_711 = arith.constant 20 : i32
      %mul3A_712 = arith.muli %scan3A_36, %mul3A_711 : i32
      %add3A_713 = arith.constant 11 : i32
      %add3A_714 = arith.addi %mul3A_712, %add3A_713 : i32
      %get3A_715 = arith.index_cast %add3A_714 : i32 to index
      %get3A_716 = arith.constant 48 : index
      %get3A_717 = tpu.vector_load %arg6[%get3A_715, %get3A_716] {strides = array<i32>} : memref<1280x64xf32, #tpu.memory_space<vmem>>, vector<1x16xf32>,
      %get3A_718 = vector.shape_cast %get3A_717 : vector<1x16xf32> to vector<16xf32>
      %add3A_719 = arith.addf %add3A_710, %get3A_718 : vector<16xf32>
      %mul3A_720 = arith.constant 20 : i32
      %mul3A_721 = arith.muli %scan3A_36, %mul3A_720 : i32
      %add3A_722 = arith.constant 12 : i32
      %add3A_723 = arith.addi %mul3A_721, %add3A_722 : i32
      %get3A_724 = arith.index_cast %add3A_723 : i32 to index
      %get3A_725 = arith.constant 48 : index
      %get3A_726 = tpu.vector_load %arg6[%get3A_724, %get3A_725] {strides = array<i32>} : memref<1280x64xf32, #tpu.memory_space<vmem>>, vector<1x16xf32>,
      %get3A_727 = vector.shape_cast %get3A_726 : vector<1x16xf32> to vector<16xf32>
      %add3A_728 = arith.addf %add3A_719, %get3A_727 : vector<16xf32>
      %mul3A_729 = arith.constant 20 : i32
      %mul3A_730 = arith.muli %scan3A_36, %mul3A_729 : i32
      %add3A_731 = arith.constant 13 : i32
      %add3A_732 = arith.addi %mul3A_730, %add3A_731 : i32
      %get3A_733 = arith.index_cast %add3A_732 : i32 to index
      %get3A_734 = arith.constant 48 : index
      %get3A_735 = tpu.vector_load %arg6[%get3A_733, %get3A_734] {strides = array<i32>} : memref<1280x64xf32, #tpu.memory_space<vmem>>, vector<1x16xf32>,
      %get3A_736 = vector.shape_cast %get3A_735 : vector<1x16xf32> to vector<16xf32>
      %add3A_737 = arith.addf %add3A_728, %get3A_736 : vector<16xf32>
      %mul3A_738 = arith.constant 20 : i32
      %mul3A_739 = arith.muli %scan3A_36, %mul3A_738 : i32
      %add3A_740 = arith.constant 14 : i32
      %add3A_741 = arith.addi %mul3A_739, %add3A_740 : i32
      %get3A_742 = arith.index_cast %add3A_741 : i32 to index
      %get3A_743 = arith.constant 48 : index
      %get3A_744 = tpu.vector_load %arg6[%get3A_742, %get3A_743] {strides = array<i32>} : memref<1280x64xf32, #tpu.memory_space<vmem>>, vector<1x16xf32>,
      %get3A_745 = vector.shape_cast %get3A_744 : vector<1x16xf32> to vector<16xf32>
      %add3A_746 = arith.addf %add3A_737, %get3A_745 : vector<16xf32>
      %mul3A_747 = arith.constant 20 : i32
      %mul3A_748 = arith.muli %scan3A_36, %mul3A_747 : i32
      %add3A_749 = arith.constant 15 : i32
      %add3A_750 = arith.addi %mul3A_748, %add3A_749 : i32
      %get3A_751 = arith.index_cast %add3A_750 : i32 to index
      %get3A_752 = arith.constant 48 : index
      %get3A_753 = tpu.vector_load %arg6[%get3A_751, %get3A_752] {strides = array<i32>} : memref<1280x64xf32, #tpu.memory_space<vmem>>, vector<1x16xf32>,
      %get3A_754 = vector.shape_cast %get3A_753 : vector<1x16xf32> to vector<16xf32>
      %add3A_755 = arith.addf %add3A_746, %get3A_754 : vector<16xf32>
      %mul3A_756 = arith.constant 20 : i32
      %mul3A_757 = arith.muli %scan3A_36, %mul3A_756 : i32
      %add3A_758 = arith.constant 16 : i32
      %add3A_759 = arith.addi %mul3A_757, %add3A_758 : i32
      %get3A_760 = arith.index_cast %add3A_759 : i32 to index
      %get3A_761 = arith.constant 48 : index
      %get3A_762 = tpu.vector_load %arg6[%get3A_760, %get3A_761] {strides = array<i32>} : memref<1280x64xf32, #tpu.memory_space<vmem>>, vector<1x16xf32>,
      %get3A_763 = vector.shape_cast %get3A_762 : vector<1x16xf32> to vector<16xf32>
      %add3A_764 = arith.addf %add3A_755, %get3A_763 : vector<16xf32>
      %mul3A_765 = arith.constant 20 : i32
      %mul3A_766 = arith.muli %scan3A_36, %mul3A_765 : i32
      %add3A_767 = arith.constant 17 : i32
      %add3A_768 = arith.addi %mul3A_766, %add3A_767 : i32
      %get3A_769 = arith.index_cast %add3A_768 : i32 to index
      %get3A_770 = arith.constant 48 : index
      %get3A_771 = tpu.vector_load %arg6[%get3A_769, %get3A_770] {strides = array<i32>} : memref<1280x64xf32, #tpu.memory_space<vmem>>, vector<1x16xf32>,
      %get3A_772 = vector.shape_cast %get3A_771 : vector<1x16xf32> to vector<16xf32>
      %add3A_773 = arith.addf %add3A_764, %get3A_772 : vector<16xf32>
      %mul3A_774 = arith.constant 20 : i32
      %mul3A_775 = arith.muli %scan3A_36, %mul3A_774 : i32
      %add3A_776 = arith.constant 18 : i32
      %add3A_777 = arith.addi %mul3A_775, %add3A_776 : i32
      %get3A_778 = arith.index_cast %add3A_777 : i32 to index
      %get3A_779 = arith.constant 48 : index
      %get3A_780 = tpu.vector_load %arg6[%get3A_778, %get3A_779] {strides = array<i32>} : memref<1280x64xf32, #tpu.memory_space<vmem>>, vector<1x16xf32>,
      %get3A_781 = vector.shape_cast %get3A_780 : vector<1x16xf32> to vector<16xf32>
      %add3A_782 = arith.addf %add3A_773, %get3A_781 : vector<16xf32>
      %mul3A_783 = arith.constant 20 : i32
      %mul3A_784 = arith.muli %scan3A_36, %mul3A_783 : i32
      %add3A_785 = arith.constant 19 : i32
      %add3A_786 = arith.addi %mul3A_784, %add3A_785 : i32
      %get3A_787 = arith.index_cast %add3A_786 : i32 to index
      %get3A_788 = arith.constant 48 : index
      %get3A_789 = tpu.vector_load %arg6[%get3A_787, %get3A_788] {strides = array<i32>} : memref<1280x64xf32, #tpu.memory_space<vmem>>, vector<1x16xf32>,
      %get3A_790 = vector.shape_cast %get3A_789 : vector<1x16xf32> to vector<16xf32>
      %add3A_791 = arith.addf %add3A_782, %get3A_790 : vector<16xf32>
      %neg3A_792 = arith.constant 0.000000e+00 : f32
      %neg3A_793 = vector.broadcast %neg3A_792 : f32 to vector<16xf32>
      %neg3A_794 = arith.subf %neg3A_793, %add3A_791 : vector<16xf32>
      %exp3A_795 = math.exp %neg3A_794 : vector<16xf32>
      %add3A_796 = arith.constant 1.000000e+00 : f32
      %add3A_797 = vector.broadcast %add3A_796 : f32 to vector<16xf32>
      %add3A_798 = arith.addf %add3A_797, %exp3A_795 : vector<16xf32>
      %div3A_799 = arith.constant 1.000000e+00 : f32
      %div3A_800 = vector.broadcast %div3A_799 : f32 to vector<16xf32>
      %div3A_801 = arith.divf %div3A_800, %add3A_798 : vector<16xf32>
      %add3A_802 = arith.constant 0 : i32
      %add3A_803 = arith.addi %add3A_802, %scan3A_36 : i32
      %swap3A_804 = arith.index_cast %add3A_803 : i32 to index
      %swap3A_805 = arith.constant 48 : index
      %swap3A_806 = tpu.vector_load %arg7[%swap3A_804, %swap3A_805] {strides = array<i32>} : memref<128x64xf32, #tpu.memory_space<vmem>>, vector<1x16xf32>,
      %swap3A_807 = vector.shape_cast %swap3A_806 : vector<1x16xf32> to vector<16xf32>
      %swap3A_808 = vector.shape_cast %div3A_801 : vector<16xf32> to vector<1x16xf32>
      tpu.vector_store %arg7[%swap3A_804, %swap3A_805], %swap3A_808 {strides = array<i32>} : memref<128x64xf32, #tpu.memory_space<vmem>>, vector<1x16xf32>,
      %scan3A_809 = arith.constant 0 : i32
      scf.yield %scan3A_809 : i32
    }
    %scan3A_18 = arith.constant 64 : i32
    %dma_start3A_19 = arith.constant 1280 : i32
    %dma_start3A_20 = tpu.memref_slice %arg5[%dma_start3A_19] : memref<2560xi32, #tpu.memory_space<vmem>> -> memref<1280xi32, #tpu.memory_space<vmem>>
    %dma_start3A_21 = arith.constant 0 : i32
    %dma_start3A_22 = arith.constant 0 : i32
    %dma_start3A_23 = tpu.memref_slice %arg3[%dma_start3A_21, %dma_start3A_22] : memref<100000x64xf32, #tpu.memory_space<hbm>> -> memref<100000x64xf32, #tpu.memory_space<hbm>>
    tpu.enqueue_indirect_dma source(%dma_start3A_23 : memref<100000x64xf32, #tpu.memory_space<hbm>>) target(%arg6 : memref<1280x64xf32, #tpu.memory_space<vmem>>) offsets(%dma_start3A_20 : memref<1280xi32, #tpu.memory_space<vmem>>) semaphore(%arg8 : memref<!tpu.dma_semaphore, #tpu.memory_space<semaphore_mem>>)
    %dma_wait3A_24 = arith.constant 1280 : i32
    %dma_wait3A_25 = tpu.memref_slice %arg5[%dma_wait3A_24] : memref<2560xi32, #tpu.memory_space<vmem>> -> memref<1280xi32, #tpu.memory_space<vmem>>
    %dma_wait3A_26 = arith.constant 0 : i32
    %dma_wait3A_27 = arith.constant 0 : i32
    %dma_wait3A_28 = tpu.memref_slice %arg3[%dma_wait3A_26, %dma_wait3A_27] : memref<100000x64xf32, #tpu.memory_space<hbm>> -> memref<100000x64xf32, #tpu.memory_space<hbm>>
    tpu.wait_indirect_dma semaphore(%arg8 : memref<!tpu.dma_semaphore, #tpu.memory_space<semaphore_mem>>) src(%dma_wait3A_28 : memref<100000x64xf32, #tpu.memory_space<hbm>>) dst(%arg6 : memref<1280x64xf32, #tpu.memory_space<vmem>>)
    %scan3A_29 = arith.constant 0 : i32
    %scan3A_30 = arith.constant 0 : i32
    %scan3A_31 = arith.constant 64 : i32
    %scan3A_32 = arith.addi %scan3A_30, %scan3A_31 : i32
    %scan3A_33 = arith.constant 1 : i32
    %scan3A_34 = scf.for %scan3A_36 = %scan3A_30 to %scan3A_32 step %scan3A_33 iter_args(%scan3A_37 = %scan3A_29) -> (i32)  : i32 {
      %mul3A_38 = arith.constant 20 : i32
      %mul3A_39 = arith.muli %scan3A_36, %mul3A_38 : i32
      %get3A = arith.index_cast %mul3A_39 : i32 to index
      %get3A_40 = arith.constant 0 : index
      %get3A_41 = tpu.vector_load %arg6[%get3A, %get3A_40] {strides = array<i32>} : memref<1280x64xf32, #tpu.memory_space<vmem>>, vector<1x16xf32>,
      %get3A_42 = vector.shape_cast %get3A_41 : vector<1x16xf32> to vector<16xf32>
      %mul3A_43 = arith.constant 20 : i32
      %mul3A_44 = arith.muli %scan3A_36, %mul3A_43 : i32
      %add3A_45 = arith.constant 1 : i32
      %add3A_46 = arith.addi %mul3A_44, %add3A_45 : i32
      %get3A_47 = arith.index_cast %add3A_46 : i32 to index
      %get3A_48 = arith.constant 0 : index
      %get3A_49 = tpu.vector_load %arg6[%get3A_47, %get3A_48] {strides = array<i32>} : memref<1280x64xf32, #tpu.memory_space<vmem>>, vector<1x16xf32>,
      %get3A_50 = vector.shape_cast %get3A_49 : vector<1x16xf32> to vector<16xf32>
      %add3A_51 = arith.addf %get3A_42, %get3A_50 : vector<16xf32>
      %mul3A_52 = arith.constant 20 : i32
      %mul3A_53 = arith.muli %scan3A_36, %mul3A_52 : i32
      %add3A_54 = arith.constant 2 : i32
      %add3A_55 = arith.addi %mul3A_53, %add3A_54 : i32
      %get3A_56 = arith.index_cast %add3A_55 : i32 to index
      %get3A_57 = arith.constant 0 : index
      %get3A_58 = tpu.vector_load %arg6[%get3A_56, %get3A_57] {strides = array<i32>} : memref<1280x64xf32, #tpu.memory_space<vmem>>, vector<1x16xf32>,
      %get3A_59 = vector.shape_cast %get3A_58 : vector<1x16xf32> to vector<16xf32>
      %add3A_60 = arith.addf %add3A_51, %get3A_59 : vector<16xf32>
      %mul3A_61 = arith.constant 20 : i32
      %mul3A_62 = arith.muli %scan3A_36, %mul3A_61 : i32
      %add3A_63 = arith.constant 3 : i32
      %add3A_64 = arith.addi %mul3A_62, %add3A_63 : i32
      %get3A_65 = arith.index_cast %add3A_64 : i32 to index
      %get3A_66 = arith.constant 0 : index
      %get3A_67 = tpu.vector_load %arg6[%get3A_65, %get3A_66] {strides = array<i32>} : memref<1280x64xf32, #tpu.memory_space<vmem>>, vector<1x16xf32>,
      %get3A_68 = vector.shape_cast %get3A_67 : vector<1x16xf32> to vector<16xf32>
      %add3A_69 = arith.addf %add3A_60, %get3A_68 : vector<16xf32>
      %mul3A_70 = arith.constant 20 : i32
      %mul3A_71 = arith.muli %scan3A_36, %mul3A_70 : i32
      %add3A_72 = arith.constant 4 : i32
      %add3A_73 = arith.addi %mul3A_71, %add3A_72 : i32
      %get3A_74 = arith.index_cast %add3A_73 : i32 to index
      %get3A_75 = arith.constant 0 : index
      %get3A_76 = tpu.vector_load %arg6[%get3A_74, %get3A_75] {strides = array<i32>} : memref<1280x64xf32, #tpu.memory_space<vmem>>, vector<1x16xf32>,
      %get3A_77 = vector.shape_cast %get3A_76 : vector<1x16xf32> to vector<16xf32>
      %add3A_78 = arith.addf %add3A_69, %get3A_77 : vector<16xf32>
      %mul3A_79 = arith.constant 20 : i32
      %mul3A_80 = arith.muli %scan3A_36, %mul3A_79 : i32
      %add3A_81 = arith.constant 5 : i32
      %add3A_82 = arith.addi %mul3A_80, %add3A_81 : i32
      %get3A_83 = arith.index_cast %add3A_82 : i32 to index
      %get3A_84 = arith.constant 0 : index
      %get3A_85 = tpu.vector_load %arg6[%get3A_83, %get3A_84] {strides = array<i32>} : memref<1280x64xf32, #tpu.memory_space<vmem>>, vector<1x16xf32>,
      %get3A_86 = vector.shape_cast %get3A_85 : vector<1x16xf32> to vector<16xf32>
      %add3A_87 = arith.addf %add3A_78, %get3A_86 : vector<16xf32>
      %mul3A_88 = arith.constant 20 : i32
      %mul3A_89 = arith.muli %scan3A_36, %mul3A_88 : i32
      %add3A_90 = arith.constant 6 : i32
      %add3A_91 = arith.addi %mul3A_89, %add3A_90 : i32
      %get3A_92 = arith.index_cast %add3A_91 : i32 to index
      %get3A_93 = arith.constant 0 : index
      %get3A_94 = tpu.vector_load %arg6[%get3A_92, %get3A_93] {strides = array<i32>} : memref<1280x64xf32, #tpu.memory_space<vmem>>, vector<1x16xf32>,
      %get3A_95 = vector.shape_cast %get3A_94 : vector<1x16xf32> to vector<16xf32>
      %add3A_96 = arith.addf %add3A_87, %get3A_95 : vector<16xf32>
      %mul3A_97 = arith.constant 20 : i32
      %mul3A_98 = arith.muli %scan3A_36, %mul3A_97 : i32
      %add3A_99 = arith.constant 7 : i32
      %add3A_100 = arith.addi %mul3A_98, %add3A_99 : i32
      %get3A_101 = arith.index_cast %add3A_100 : i32 to index
      %get3A_102 = arith.constant 0 : index
      %get3A_103 = tpu.vector_load %arg6[%get3A_101, %get3A_102] {strides = array<i32>} : memref<1280x64xf32, #tpu.memory_space<vmem>>, vector<1x16xf32>,
      %get3A_104 = vector.shape_cast %get3A_103 : vector<1x16xf32> to vector<16xf32>
      %add3A_105 = arith.addf %add3A_96, %get3A_104 : vector<16xf32>
      %mul3A_106 = arith.constant 20 : i32
      %mul3A_107 = arith.muli %scan3A_36, %mul3A_106 : i32
      %add3A_108 = arith.constant 8 : i32
      %add3A_109 = arith.addi %mul3A_107, %add3A_108 : i32
      %get3A_110 = arith.index_cast %add3A_109 : i32 to index
      %get3A_111 = arith.constant 0 : index
      %get3A_112 = tpu.vector_load %arg6[%get3A_110, %get3A_111] {strides = array<i32>} : memref<1280x64xf32, #tpu.memory_space<vmem>>, vector<1x16xf32>,
      %get3A_113 = vector.shape_cast %get3A_112 : vector<1x16xf32> to vector<16xf32>
      %add3A_114 = arith.addf %add3A_105, %get3A_113 : vector<16xf32>
      %mul3A_115 = arith.constant 20 : i32
      %mul3A_116 = arith.muli %scan3A_36, %mul3A_115 : i32
      %add3A_117 = arith.constant 9 : i32
      %add3A_118 = arith.addi %mul3A_116, %add3A_117 : i32
      %get3A_119 = arith.index_cast %add3A_118 : i32 to index
      %get3A_120 = arith.constant 0 : index
      %get3A_121 = tpu.vector_load %arg6[%get3A_119, %get3A_120] {strides = array<i32>} : memref<1280x64xf32, #tpu.memory_space<vmem>>, vector<1x16xf32>,
      %get3A_122 = vector.shape_cast %get3A_121 : vector<1x16xf32> to vector<16xf32>
      %add3A_123 = arith.addf %add3A_114, %get3A_122 : vector<16xf32>
      %mul3A_124 = arith.constant 20 : i32
      %mul3A_125 = arith.muli %scan3A_36, %mul3A_124 : i32
      %add3A_126 = arith.constant 10 : i32
      %add3A_127 = arith.addi %mul3A_125, %add3A_126 : i32
      %get3A_128 = arith.index_cast %add3A_127 : i32 to index
      %get3A_129 = arith.constant 0 : index
      %get3A_130 = tpu.vector_load %arg6[%get3A_128, %get3A_129] {strides = array<i32>} : memref<1280x64xf32, #tpu.memory_space<vmem>>, vector<1x16xf32>,
      %get3A_131 = vector.shape_cast %get3A_130 : vector<1x16xf32> to vector<16xf32>
      %add3A_132 = arith.addf %add3A_123, %get3A_131 : vector<16xf32>
      %mul3A_133 = arith.constant 20 : i32
      %mul3A_134 = arith.muli %scan3A_36, %mul3A_133 : i32
      %add3A_135 = arith.constant 11 : i32
      %add3A_136 = arith.addi %mul3A_134, %add3A_135 : i32
      %get3A_137 = arith.index_cast %add3A_136 : i32 to index
      %get3A_138 = arith.constant 0 : index
      %get3A_139 = tpu.vector_load %arg6[%get3A_137, %get3A_138] {strides = array<i32>} : memref<1280x64xf32, #tpu.memory_space<vmem>>, vector<1x16xf32>,
      %get3A_140 = vector.shape_cast %get3A_139 : vector<1x16xf32> to vector<16xf32>
      %add3A_141 = arith.addf %add3A_132, %get3A_140 : vector<16xf32>
      %mul3A_142 = arith.constant 20 : i32
      %mul3A_143 = arith.muli %scan3A_36, %mul3A_142 : i32
      %add3A_144 = arith.constant 12 : i32
      %add3A_145 = arith.addi %mul3A_143, %add3A_144 : i32
      %get3A_146 = arith.index_cast %add3A_145 : i32 to index
      %get3A_147 = arith.constant 0 : index
      %get3A_148 = tpu.vector_load %arg6[%get3A_146, %get3A_147] {strides = array<i32>} : memref<1280x64xf32, #tpu.memory_space<vmem>>, vector<1x16xf32>,
      %get3A_149 = vector.shape_cast %get3A_148 : vector<1x16xf32> to vector<16xf32>
      %add3A_150 = arith.addf %add3A_141, %get3A_149 : vector<16xf32>
      %mul3A_151 = arith.constant 20 : i32
      %mul3A_152 = arith.muli %scan3A_36, %mul3A_151 : i32
      %add3A_153 = arith.constant 13 : i32
      %add3A_154 = arith.addi %mul3A_152, %add3A_153 : i32
      %get3A_155 = arith.index_cast %add3A_154 : i32 to index
      %get3A_156 = arith.constant 0 : index
      %get3A_157 = tpu.vector_load %arg6[%get3A_155, %get3A_156] {strides = array<i32>} : memref<1280x64xf32, #tpu.memory_space<vmem>>, vector<1x16xf32>,
      %get3A_158 = vector.shape_cast %get3A_157 : vector<1x16xf32> to vector<16xf32>
      %add3A_159 = arith.addf %add3A_150, %get3A_158 : vector<16xf32>
      %mul3A_160 = arith.constant 20 : i32
      %mul3A_161 = arith.muli %scan3A_36, %mul3A_160 : i32
      %add3A_162 = arith.constant 14 : i32
      %add3A_163 = arith.addi %mul3A_161, %add3A_162 : i32
      %get3A_164 = arith.index_cast %add3A_163 : i32 to index
      %get3A_165 = arith.constant 0 : index
      %get3A_166 = tpu.vector_load %arg6[%get3A_164, %get3A_165] {strides = array<i32>} : memref<1280x64xf32, #tpu.memory_space<vmem>>, vector<1x16xf32>,
      %get3A_167 = vector.shape_cast %get3A_166 : vector<1x16xf32> to vector<16xf32>
      %add3A_168 = arith.addf %add3A_159, %get3A_167 : vector<16xf32>
      %mul3A_169 = arith.constant 20 : i32
      %mul3A_170 = arith.muli %scan3A_36, %mul3A_169 : i32
      %add3A_171 = arith.constant 15 : i32
      %add3A_172 = arith.addi %mul3A_170, %add3A_171 : i32
      %get3A_173 = arith.index_cast %add3A_172 : i32 to index
      %get3A_174 = arith.constant 0 : index
      %get3A_175 = tpu.vector_load %arg6[%get3A_173, %get3A_174] {strides = array<i32>} : memref<1280x64xf32, #tpu.memory_space<vmem>>, vector<1x16xf32>,
      %get3A_176 = vector.shape_cast %get3A_175 : vector<1x16xf32> to vector<16xf32>
      %add3A_177 = arith.addf %add3A_168, %get3A_176 : vector<16xf32>
      %mul3A_178 = arith.constant 20 : i32
      %mul3A_179 = arith.muli %scan3A_36, %mul3A_178 : i32
      %add3A_180 = arith.constant 16 : i32
      %add3A_181 = arith.addi %mul3A_179, %add3A_180 : i32
      %get3A_182 = arith.index_cast %add3A_181 : i32 to index
      %get3A_183 = arith.constant 0 : index
      %get3A_184 = tpu.vector_load %arg6[%get3A_182, %get3A_183] {strides = array<i32>} : memref<1280x64xf32, #tpu.memory_space<vmem>>, vector<1x16xf32>,
      %get3A_185 = vector.shape_cast %get3A_184 : vector<1x16xf32> to vector<16xf32>
      %add3A_186 = arith.addf %add3A_177, %get3A_185 : vector<16xf32>
      %mul3A_187 = arith.constant 20 : i32
      %mul3A_188 = arith.muli %scan3A_36, %mul3A_187 : i32
      %add3A_189 = arith.constant 17 : i32
      %add3A_190 = arith.addi %mul3A_188, %add3A_189 : i32
      %get3A_191 = arith.index_cast %add3A_190 : i32 to index
      %get3A_192 = arith.constant 0 : index
      %get3A_193 = tpu.vector_load %arg6[%get3A_191, %get3A_192] {strides = array<i32>} : memref<1280x64xf32, #tpu.memory_space<vmem>>, vector<1x16xf32>,
      %get3A_194 = vector.shape_cast %get3A_193 : vector<1x16xf32> to vector<16xf32>
      %add3A_195 = arith.addf %add3A_186, %get3A_194 : vector<16xf32>
      %mul3A_196 = arith.constant 20 : i32
      %mul3A_197 = arith.muli %scan3A_36, %mul3A_196 : i32
      %add3A_198 = arith.constant 18 : i32
      %add3A_199 = arith.addi %mul3A_197, %add3A_198 : i32
      %get3A_200 = arith.index_cast %add3A_199 : i32 to index
      %get3A_201 = arith.constant 0 : index
      %get3A_202 = tpu.vector_load %arg6[%get3A_200, %get3A_201] {strides = array<i32>} : memref<1280x64xf32, #tpu.memory_space<vmem>>, vector<1x16xf32>,
      %get3A_203 = vector.shape_cast %get3A_202 : vector<1x16xf32> to vector<16xf32>
      %add3A_204 = arith.addf %add3A_195, %get3A_203 : vector<16xf32>
      %mul3A_205 = arith.constant 20 : i32
      %mul3A_206 = arith.muli %scan3A_36, %mul3A_205 : i32
      %add3A_207 = arith.constant 19 : i32
      %add3A_208 = arith.addi %mul3A_206, %add3A_207 : i32
      %get3A_209 = arith.index_cast %add3A_208 : i32 to index
      %get3A_210 = arith.constant 0 : index
      %get3A_211 = tpu.vector_load %arg6[%get3A_209, %get3A_210] {strides = array<i32>} : memref<1280x64xf32, #tpu.memory_space<vmem>>, vector<1x16xf32>,
      %get3A_212 = vector.shape_cast %get3A_211 : vector<1x16xf32> to vector<16xf32>
      %add3A_213 = arith.addf %add3A_204, %get3A_212 : vector<16xf32>
      %neg3A = arith.constant 0.000000e+00 : f32
      %neg3A_214 = vector.broadcast %neg3A : f32 to vector<16xf32>
      %neg3A_215 = arith.subf %neg3A_214, %add3A_213 : vector<16xf32>
      %exp3A = math.exp %neg3A_215 : vector<16xf32>
      %add3A_216 = arith.constant 1.000000e+00 : f32
      %add3A_217 = vector.broadcast %add3A_216 : f32 to vector<16xf32>
      %add3A_218 = arith.addf %add3A_217, %exp3A : vector<16xf32>
      %div3A = arith.constant 1.000000e+00 : f32
      %div3A_219 = vector.broadcast %div3A : f32 to vector<16xf32>
      %div3A_220 = arith.divf %div3A_219, %add3A_218 : vector<16xf32>
      %add3A_221 = arith.constant 64 : i32
      %add3A_222 = arith.addi %add3A_221, %scan3A_36 : i32
      %swap3A = arith.index_cast %add3A_222 : i32 to index
      %swap3A_223 = arith.constant 0 : index
      %swap3A_224 = tpu.vector_load %arg7[%swap3A, %swap3A_223] {strides = array<i32>} : memref<128x64xf32, #tpu.memory_space<vmem>>, vector<1x16xf32>,
      %swap3A_225 = vector.shape_cast %swap3A_224 : vector<1x16xf32> to vector<16xf32>
      %swap3A_226 = vector.shape_cast %div3A_220 : vector<16xf32> to vector<1x16xf32>
      tpu.vector_store %arg7[%swap3A, %swap3A_223], %swap3A_226 {strides = array<i32>} : memref<128x64xf32, #tpu.memory_space<vmem>>, vector<1x16xf32>,
      %mul3A_227 = arith.constant 20 : i32
      %mul3A_228 = arith.muli %scan3A_36, %mul3A_227 : i32
      %get3A_229 = arith.index_cast %mul3A_228 : i32 to index
      %get3A_230 = arith.constant 16 : index
      %get3A_231 = tpu.vector_load %arg6[%get3A_229, %get3A_230] {strides = array<i32>} : memref<1280x64xf32, #tpu.memory_space<vmem>>, vector<1x16xf32>,
      %get3A_232 = vector.shape_cast %get3A_231 : vector<1x16xf32> to vector<16xf32>
      %mul3A_233 = arith.constant 20 : i32
      %mul3A_234 = arith.muli %scan3A_36, %mul3A_233 : i32
      %add3A_235 = arith.constant 1 : i32
      %add3A_236 = arith.addi %mul3A_234, %add3A_235 : i32
      %get3A_237 = arith.index_cast %add3A_236 : i32 to index
      %get3A_238 = arith.constant 16 : index
      %get3A_239 = tpu.vector_load %arg6[%get3A_237, %get3A_238] {strides = array<i32>} : memref<1280x64xf32, #tpu.memory_space<vmem>>, vector<1x16xf32>,
      %get3A_240 = vector.shape_cast %get3A_239 : vector<1x16xf32> to vector<16xf32>
      %add3A_241 = arith.addf %get3A_232, %get3A_240 : vector<16xf32>
      %mul3A_242 = arith.constant 20 : i32
      %mul3A_243 = arith.muli %scan3A_36, %mul3A_242 : i32
      %add3A_244 = arith.constant 2 : i32
      %add3A_245 = arith.addi %mul3A_243, %add3A_244 : i32
      %get3A_246 = arith.index_cast %add3A_245 : i32 to index
      %get3A_247 = arith.constant 16 : index
      %get3A_248 = tpu.vector_load %arg6[%get3A_246, %get3A_247] {strides = array<i32>} : memref<1280x64xf32, #tpu.memory_space<vmem>>, vector<1x16xf32>,
      %get3A_249 = vector.shape_cast %get3A_248 : vector<1x16xf32> to vector<16xf32>
      %add3A_250 = arith.addf %add3A_241, %get3A_249 : vector<16xf32>
      %mul3A_251 = arith.constant 20 : i32
      %mul3A_252 = arith.muli %scan3A_36, %mul3A_251 : i32
      %add3A_253 = arith.constant 3 : i32
      %add3A_254 = arith.addi %mul3A_252, %add3A_253 : i32
      %get3A_255 = arith.index_cast %add3A_254 : i32 to index
      %get3A_256 = arith.constant 16 : index
      %get3A_257 = tpu.vector_load %arg6[%get3A_255, %get3A_256] {strides = array<i32>} : memref<1280x64xf32, #tpu.memory_space<vmem>>, vector<1x16xf32>,
      %get3A_258 = vector.shape_cast %get3A_257 : vector<1x16xf32> to vector<16xf32>
      %add3A_259 = arith.addf %add3A_250, %get3A_258 : vector<16xf32>
      %mul3A_260 = arith.constant 20 : i32
      %mul3A_261 = arith.muli %scan3A_36, %mul3A_260 : i32
      %add3A_262 = arith.constant 4 : i32
      %add3A_263 = arith.addi %mul3A_261, %add3A_262 : i32
      %get3A_264 = arith.index_cast %add3A_263 : i32 to index
      %get3A_265 = arith.constant 16 : index
      %get3A_266 = tpu.vector_load %arg6[%get3A_264, %get3A_265] {strides = array<i32>} : memref<1280x64xf32, #tpu.memory_space<vmem>>, vector<1x16xf32>,
      %get3A_267 = vector.shape_cast %get3A_266 : vector<1x16xf32> to vector<16xf32>
      %add3A_268 = arith.addf %add3A_259, %get3A_267 : vector<16xf32>
      %mul3A_269 = arith.constant 20 : i32
      %mul3A_270 = arith.muli %scan3A_36, %mul3A_269 : i32
      %add3A_271 = arith.constant 5 : i32
      %add3A_272 = arith.addi %mul3A_270, %add3A_271 : i32
      %get3A_273 = arith.index_cast %add3A_272 : i32 to index
      %get3A_274 = arith.constant 16 : index
      %get3A_275 = tpu.vector_load %arg6[%get3A_273, %get3A_274] {strides = array<i32>} : memref<1280x64xf32, #tpu.memory_space<vmem>>, vector<1x16xf32>,
      %get3A_276 = vector.shape_cast %get3A_275 : vector<1x16xf32> to vector<16xf32>
      %add3A_277 = arith.addf %add3A_268, %get3A_276 : vector<16xf32>
      %mul3A_278 = arith.constant 20 : i32
      %mul3A_279 = arith.muli %scan3A_36, %mul3A_278 : i32
      %add3A_280 = arith.constant 6 : i32
      %add3A_281 = arith.addi %mul3A_279, %add3A_280 : i32
      %get3A_282 = arith.index_cast %add3A_281 : i32 to index
      %get3A_283 = arith.constant 16 : index
      %get3A_284 = tpu.vector_load %arg6[%get3A_282, %get3A_283] {strides = array<i32>} : memref<1280x64xf32, #tpu.memory_space<vmem>>, vector<1x16xf32>,
      %get3A_285 = vector.shape_cast %get3A_284 : vector<1x16xf32> to vector<16xf32>
      %add3A_286 = arith.addf %add3A_277, %get3A_285 : vector<16xf32>
      %mul3A_287 = arith.constant 20 : i32
      %mul3A_288 = arith.muli %scan3A_36, %mul3A_287 : i32
      %add3A_289 = arith.constant 7 : i32
      %add3A_290 = arith.addi %mul3A_288, %add3A_289 : i32
      %get3A_291 = arith.index_cast %add3A_290 : i32 to index
      %get3A_292 = arith.constant 16 : index
      %get3A_293 = tpu.vector_load %arg6[%get3A_291, %get3A_292] {strides = array<i32>} : memref<1280x64xf32, #tpu.memory_space<vmem>>, vector<1x16xf32>,
      %get3A_294 = vector.shape_cast %get3A_293 : vector<1x16xf32> to vector<16xf32>
      %add3A_295 = arith.addf %add3A_286, %get3A_294 : vector<16xf32>
      %mul3A_296 = arith.constant 20 : i32
      %mul3A_297 = arith.muli %scan3A_36, %mul3A_296 : i32
      %add3A_298 = arith.constant 8 : i32
      %add3A_299 = arith.addi %mul3A_297, %add3A_298 : i32
      %get3A_300 = arith.index_cast %add3A_299 : i32 to index
      %get3A_301 = arith.constant 16 : index
      %get3A_302 = tpu.vector_load %arg6[%get3A_300, %get3A_301] {strides = array<i32>} : memref<1280x64xf32, #tpu.memory_space<vmem>>, vector<1x16xf32>,
      %get3A_303 = vector.shape_cast %get3A_302 : vector<1x16xf32> to vector<16xf32>
      %add3A_304 = arith.addf %add3A_295, %get3A_303 : vector<16xf32>
      %mul3A_305 = arith.constant 20 : i32
      %mul3A_306 = arith.muli %scan3A_36, %mul3A_305 : i32
      %add3A_307 = arith.constant 9 : i32
      %add3A_308 = arith.addi %mul3A_306, %add3A_307 : i32
      %get3A_309 = arith.index_cast %add3A_308 : i32 to index
      %get3A_310 = arith.constant 16 : index
      %get3A_311 = tpu.vector_load %arg6[%get3A_309, %get3A_310] {strides = array<i32>} : memref<1280x64xf32, #tpu.memory_space<vmem>>, vector<1x16xf32>,
      %get3A_312 = vector.shape_cast %get3A_311 : vector<1x16xf32> to vector<16xf32>
      %add3A_313 = arith.addf %add3A_304, %get3A_312 : vector<16xf32>
      %mul3A_314 = arith.constant 20 : i32
      %mul3A_315 = arith.muli %scan3A_36, %mul3A_314 : i32
      %add3A_316 = arith.constant 10 : i32
      %add3A_317 = arith.addi %mul3A_315, %add3A_316 : i32
      %get3A_318 = arith.index_cast %add3A_317 : i32 to index
      %get3A_319 = arith.constant 16 : index
      %get3A_320 = tpu.vector_load %arg6[%get3A_318, %get3A_319] {strides = array<i32>} : memref<1280x64xf32, #tpu.memory_space<vmem>>, vector<1x16xf32>,
      %get3A_321 = vector.shape_cast %get3A_320 : vector<1x16xf32> to vector<16xf32>
      %add3A_322 = arith.addf %add3A_313, %get3A_321 : vector<16xf32>
      %mul3A_323 = arith.constant 20 : i32
      %mul3A_324 = arith.muli %scan3A_36, %mul3A_323 : i32
      %add3A_325 = arith.constant 11 : i32
      %add3A_326 = arith.addi %mul3A_324, %add3A_325 : i32
      %get3A_327 = arith.index_cast %add3A_326 : i32 to index
      %get3A_328 = arith.constant 16 : index
      %get3A_329 = tpu.vector_load %arg6[%get3A_327, %get3A_328] {strides = array<i32>} : memref<1280x64xf32, #tpu.memory_space<vmem>>, vector<1x16xf32>,
      %get3A_330 = vector.shape_cast %get3A_329 : vector<1x16xf32> to vector<16xf32>
      %add3A_331 = arith.addf %add3A_322, %get3A_330 : vector<16xf32>
      %mul3A_332 = arith.constant 20 : i32
      %mul3A_333 = arith.muli %scan3A_36, %mul3A_332 : i32
      %add3A_334 = arith.constant 12 : i32
      %add3A_335 = arith.addi %mul3A_333, %add3A_334 : i32
      %get3A_336 = arith.index_cast %add3A_335 : i32 to index
      %get3A_337 = arith.constant 16 : index
      %get3A_338 = tpu.vector_load %arg6[%get3A_336, %get3A_337] {strides = array<i32>} : memref<1280x64xf32, #tpu.memory_space<vmem>>, vector<1x16xf32>,
      %get3A_339 = vector.shape_cast %get3A_338 : vector<1x16xf32> to vector<16xf32>
      %add3A_340 = arith.addf %add3A_331, %get3A_339 : vector<16xf32>
      %mul3A_341 = arith.constant 20 : i32
      %mul3A_342 = arith.muli %scan3A_36, %mul3A_341 : i32
      %add3A_343 = arith.constant 13 : i32
      %add3A_344 = arith.addi %mul3A_342, %add3A_343 : i32
      %get3A_345 = arith.index_cast %add3A_344 : i32 to index
      %get3A_346 = arith.constant 16 : index
      %get3A_347 = tpu.vector_load %arg6[%get3A_345, %get3A_346] {strides = array<i32>} : memref<1280x64xf32, #tpu.memory_space<vmem>>, vector<1x16xf32>,
      %get3A_348 = vector.shape_cast %get3A_347 : vector<1x16xf32> to vector<16xf32>
      %add3A_349 = arith.addf %add3A_340, %get3A_348 : vector<16xf32>
      %mul3A_350 = arith.constant 20 : i32
      %mul3A_351 = arith.muli %scan3A_36, %mul3A_350 : i32
      %add3A_352 = arith.constant 14 : i32
      %add3A_353 = arith.addi %mul3A_351, %add3A_352 : i32
      %get3A_354 = arith.index_cast %add3A_353 : i32 to index
      %get3A_355 = arith.constant 16 : index
      %get3A_356 = tpu.vector_load %arg6[%get3A_354, %get3A_355] {strides = array<i32>} : memref<1280x64xf32, #tpu.memory_space<vmem>>, vector<1x16xf32>,
      %get3A_357 = vector.shape_cast %get3A_356 : vector<1x16xf32> to vector<16xf32>
      %add3A_358 = arith.addf %add3A_349, %get3A_357 : vector<16xf32>
      %mul3A_359 = arith.constant 20 : i32
      %mul3A_360 = arith.muli %scan3A_36, %mul3A_359 : i32
      %add3A_361 = arith.constant 15 : i32
      %add3A_362 = arith.addi %mul3A_360, %add3A_361 : i32
      %get3A_363 = arith.index_cast %add3A_362 : i32 to index
      %get3A_364 = arith.constant 16 : index
      %get3A_365 = tpu.vector_load %arg6[%get3A_363, %get3A_364] {strides = array<i32>} : memref<1280x64xf32, #tpu.memory_space<vmem>>, vector<1x16xf32>,
      %get3A_366 = vector.shape_cast %get3A_365 : vector<1x16xf32> to vector<16xf32>
      %add3A_367 = arith.addf %add3A_358, %get3A_366 : vector<16xf32>
      %mul3A_368 = arith.constant 20 : i32
      %mul3A_369 = arith.muli %scan3A_36, %mul3A_368 : i32
      %add3A_370 = arith.constant 16 : i32
      %add3A_371 = arith.addi %mul3A_369, %add3A_370 : i32
      %get3A_372 = arith.index_cast %add3A_371 : i32 to index
      %get3A_373 = arith.constant 16 : index
      %get3A_374 = tpu.vector_load %arg6[%get3A_372, %get3A_373] {strides = array<i32>} : memref<1280x64xf32, #tpu.memory_space<vmem>>, vector<1x16xf32>,
      %get3A_375 = vector.shape_cast %get3A_374 : vector<1x16xf32> to vector<16xf32>
      %add3A_376 = arith.addf %add3A_367, %get3A_375 : vector<16xf32>
      %mul3A_377 = arith.constant 20 : i32
      %mul3A_378 = arith.muli %scan3A_36, %mul3A_377 : i32
      %add3A_379 = arith.constant 17 : i32
      %add3A_380 = arith.addi %mul3A_378, %add3A_379 : i32
      %get3A_381 = arith.index_cast %add3A_380 : i32 to index
      %get3A_382 = arith.constant 16 : index
      %get3A_383 = tpu.vector_load %arg6[%get3A_381, %get3A_382] {strides = array<i32>} : memref<1280x64xf32, #tpu.memory_space<vmem>>, vector<1x16xf32>,
      %get3A_384 = vector.shape_cast %get3A_383 : vector<1x16xf32> to vector<16xf32>
      %add3A_385 = arith.addf %add3A_376, %get3A_384 : vector<16xf32>
      %mul3A_386 = arith.constant 20 : i32
      %mul3A_387 = arith.muli %scan3A_36, %mul3A_386 : i32
      %add3A_388 = arith.constant 18 : i32
      %add3A_389 = arith.addi %mul3A_387, %add3A_388 : i32
      %get3A_390 = arith.index_cast %add3A_389 : i32 to index
      %get3A_391 = arith.constant 16 : index
      %get3A_392 = tpu.vector_load %arg6[%get3A_390, %get3A_391] {strides = array<i32>} : memref<1280x64xf32, #tpu.memory_space<vmem>>, vector<1x16xf32>,
      %get3A_393 = vector.shape_cast %get3A_392 : vector<1x16xf32> to vector<16xf32>
      %add3A_394 = arith.addf %add3A_385, %get3A_393 : vector<16xf32>
      %mul3A_395 = arith.constant 20 : i32
      %mul3A_396 = arith.muli %scan3A_36, %mul3A_395 : i32
      %add3A_397 = arith.constant 19 : i32
      %add3A_398 = arith.addi %mul3A_396, %add3A_397 : i32
      %get3A_399 = arith.index_cast %add3A_398 : i32 to index
      %get3A_400 = arith.constant 16 : index
      %get3A_401 = tpu.vector_load %arg6[%get3A_399, %get3A_400] {strides = array<i32>} : memref<1280x64xf32, #tpu.memory_space<vmem>>, vector<1x16xf32>,
      %get3A_402 = vector.shape_cast %get3A_401 : vector<1x16xf32> to vector<16xf32>
      %add3A_403 = arith.addf %add3A_394, %get3A_402 : vector<16xf32>
      %neg3A_404 = arith.constant 0.000000e+00 : f32
      %neg3A_405 = vector.broadcast %neg3A_404 : f32 to vector<16xf32>
      %neg3A_406 = arith.subf %neg3A_405, %add3A_403 : vector<16xf32>
      %exp3A_407 = math.exp %neg3A_406 : vector<16xf32>
      %add3A_408 = arith.constant 1.000000e+00 : f32
      %add3A_409 = vector.broadcast %add3A_408 : f32 to vector<16xf32>
      %add3A_410 = arith.addf %add3A_409, %exp3A_407 : vector<16xf32>
      %div3A_411 = arith.constant 1.000000e+00 : f32
      %div3A_412 = vector.broadcast %div3A_411 : f32 to vector<16xf32>
      %div3A_413 = arith.divf %div3A_412, %add3A_410 : vector<16xf32>
      %add3A_414 = arith.constant 64 : i32
      %add3A_415 = arith.addi %add3A_414, %scan3A_36 : i32
      %swap3A_416 = arith.index_cast %add3A_415 : i32 to index
      %swap3A_417 = arith.constant 16 : index
      %swap3A_418 = tpu.vector_load %arg7[%swap3A_416, %swap3A_417] {strides = array<i32>} : memref<128x64xf32, #tpu.memory_space<vmem>>, vector<1x16xf32>,
      %swap3A_419 = vector.shape_cast %swap3A_418 : vector<1x16xf32> to vector<16xf32>
      %swap3A_420 = vector.shape_cast %div3A_413 : vector<16xf32> to vector<1x16xf32>
      tpu.vector_store %arg7[%swap3A_416, %swap3A_417], %swap3A_420 {strides = array<i32>} : memref<128x64xf32, #tpu.memory_space<vmem>>, vector<1x16xf32>,
      %mul3A_421 = arith.constant 20 : i32
      %mul3A_422 = arith.muli %scan3A_36, %mul3A_421 : i32
      %get3A_423 = arith.index_cast %mul3A_422 : i32 to index
      %get3A_424 = arith.constant 32 : index
      %get3A_425 = tpu.vector_load %arg6[%get3A_423, %get3A_424] {strides = array<i32>} : memref<1280x64xf32, #tpu.memory_space<vmem>>, vector<1x16xf32>,
      %get3A_426 = vector.shape_cast %get3A_425 : vector<1x16xf32> to vector<16xf32>
      %mul3A_427 = arith.constant 20 : i32
      %mul3A_428 = arith.muli %scan3A_36, %mul3A_427 : i32
      %add3A_429 = arith.constant 1 : i32
      %add3A_430 = arith.addi %mul3A_428, %add3A_429 : i32
      %get3A_431 = arith.index_cast %add3A_430 : i32 to index
      %get3A_432 = arith.constant 32 : index
      %get3A_433 = tpu.vector_load %arg6[%get3A_431, %get3A_432] {strides = array<i32>} : memref<1280x64xf32, #tpu.memory_space<vmem>>, vector<1x16xf32>,
      %get3A_434 = vector.shape_cast %get3A_433 : vector<1x16xf32> to vector<16xf32>
      %add3A_435 = arith.addf %get3A_426, %get3A_434 : vector<16xf32>
      %mul3A_436 = arith.constant 20 : i32
      %mul3A_437 = arith.muli %scan3A_36, %mul3A_436 : i32
      %add3A_438 = arith.constant 2 : i32
      %add3A_439 = arith.addi %mul3A_437, %add3A_438 : i32
      %get3A_440 = arith.index_cast %add3A_439 : i32 to index
      %get3A_441 = arith.constant 32 : index
      %get3A_442 = tpu.vector_load %arg6[%get3A_440, %get3A_441] {strides = array<i32>} : memref<1280x64xf32, #tpu.memory_space<vmem>>, vector<1x16xf32>,
      %get3A_443 = vector.shape_cast %get3A_442 : vector<1x16xf32> to vector<16xf32>
      %add3A_444 = arith.addf %add3A_435, %get3A_443 : vector<16xf32>
      %mul3A_445 = arith.constant 20 : i32
      %mul3A_446 = arith.muli %scan3A_36, %mul3A_445 : i32
      %add3A_447 = arith.constant 3 : i32
      %add3A_448 = arith.addi %mul3A_446, %add3A_447 : i32
      %get3A_449 = arith.index_cast %add3A_448 : i32 to index
      %get3A_450 = arith.constant 32 : index
      %get3A_451 = tpu.vector_load %arg6[%get3A_449, %get3A_450] {strides = array<i32>} : memref<1280x64xf32, #tpu.memory_space<vmem>>, vector<1x16xf32>,
      %get3A_452 = vector.shape_cast %get3A_451 : vector<1x16xf32> to vector<16xf32>
      %add3A_453 = arith.addf %add3A_444, %get3A_452 : vector<16xf32>
      %mul3A_454 = arith.constant 20 : i32
      %mul3A_455 = arith.muli %scan3A_36, %mul3A_454 : i32
      %add3A_456 = arith.constant 4 : i32
      %add3A_457 = arith.addi %mul3A_455, %add3A_456 : i32
      %get3A_458 = arith.index_cast %add3A_457 : i32 to index
      %get3A_459 = arith.constant 32 : index
      %get3A_460 = tpu.vector_load %arg6[%get3A_458, %get3A_459] {strides = array<i32>} : memref<1280x64xf32, #tpu.memory_space<vmem>>, vector<1x16xf32>,
      %get3A_461 = vector.shape_cast %get3A_460 : vector<1x16xf32> to vector<16xf32>
      %add3A_462 = arith.addf %add3A_453, %get3A_461 : vector<16xf32>
      %mul3A_463 = arith.constant 20 : i32
      %mul3A_464 = arith.muli %scan3A_36, %mul3A_463 : i32
      %add3A_465 = arith.constant 5 : i32
      %add3A_466 = arith.addi %mul3A_464, %add3A_465 : i32
      %get3A_467 = arith.index_cast %add3A_466 : i32 to index
      %get3A_468 = arith.constant 32 : index
      %get3A_469 = tpu.vector_load %arg6[%get3A_467, %get3A_468] {strides = array<i32>} : memref<1280x64xf32, #tpu.memory_space<vmem>>, vector<1x16xf32>,
      %get3A_470 = vector.shape_cast %get3A_469 : vector<1x16xf32> to vector<16xf32>
      %add3A_471 = arith.addf %add3A_462, %get3A_470 : vector<16xf32>
      %mul3A_472 = arith.constant 20 : i32
      %mul3A_473 = arith.muli %scan3A_36, %mul3A_472 : i32
      %add3A_474 = arith.constant 6 : i32
      %add3A_475 = arith.addi %mul3A_473, %add3A_474 : i32
      %get3A_476 = arith.index_cast %add3A_475 : i32 to index
      %get3A_477 = arith.constant 32 : index
      %get3A_478 = tpu.vector_load %arg6[%get3A_476, %get3A_477] {strides = array<i32>} : memref<1280x64xf32, #tpu.memory_space<vmem>>, vector<1x16xf32>,
      %get3A_479 = vector.shape_cast %get3A_478 : vector<1x16xf32> to vector<16xf32>
      %add3A_480 = arith.addf %add3A_471, %get3A_479 : vector<16xf32>
      %mul3A_481 = arith.constant 20 : i32
      %mul3A_482 = arith.muli %scan3A_36, %mul3A_481 : i32
      %add3A_483 = arith.constant 7 : i32
      %add3A_484 = arith.addi %mul3A_482, %add3A_483 : i32
      %get3A_485 = arith.index_cast %add3A_484 : i32 to index
      %get3A_486 = arith.constant 32 : index
      %get3A_487 = tpu.vector_load %arg6[%get3A_485, %get3A_486] {strides = array<i32>} : memref<1280x64xf32, #tpu.memory_space<vmem>>, vector<1x16xf32>,
      %get3A_488 = vector.shape_cast %get3A_487 : vector<1x16xf32> to vector<16xf32>
      %add3A_489 = arith.addf %add3A_480, %get3A_488 : vector<16xf32>
      %mul3A_490 = arith.constant 20 : i32
      %mul3A_491 = arith.muli %scan3A_36, %mul3A_490 : i32
      %add3A_492 = arith.constant 8 : i32
      %add3A_493 = arith.addi %mul3A_491, %add3A_492 : i32
      %get3A_494 = arith.index_cast %add3A_493 : i32 to index
      %get3A_495 = arith.constant 32 : index
      %get3A_496 = tpu.vector_load %arg6[%get3A_494, %get3A_495] {strides = array<i32>} : memref<1280x64xf32, #tpu.memory_space<vmem>>, vector<1x16xf32>,
      %get3A_497 = vector.shape_cast %get3A_496 : vector<1x16xf32> to vector<16xf32>
      %add3A_498 = arith.addf %add3A_489, %get3A_497 : vector<16xf32>
      %mul3A_499 = arith.constant 20 : i32
      %mul3A_500 = arith.muli %scan3A_36, %mul3A_499 : i32
      %add3A_501 = arith.constant 9 : i32
      %add3A_502 = arith.addi %mul3A_500, %add3A_501 : i32
      %get3A_503 = arith.index_cast %add3A_502 : i32 to index
      %get3A_504 = arith.constant 32 : index
      %get3A_505 = tpu.vector_load %arg6[%get3A_503, %get3A_504] {strides = array<i32>} : memref<1280x64xf32, #tpu.memory_space<vmem>>, vector<1x16xf32>,
      %get3A_506 = vector.shape_cast %get3A_505 : vector<1x16xf32> to vector<16xf32>
      %add3A_507 = arith.addf %add3A_498, %get3A_506 : vector<16xf32>
      %mul3A_508 = arith.constant 20 : i32
      %mul3A_509 = arith.muli %scan3A_36, %mul3A_508 : i32
      %add3A_510 = arith.constant 10 : i32
      %add3A_511 = arith.addi %mul3A_509, %add3A_510 : i32
      %get3A_512 = arith.index_cast %add3A_511 : i32 to index
      %get3A_513 = arith.constant 32 : index
      %get3A_514 = tpu.vector_load %arg6[%get3A_512, %get3A_513] {strides = array<i32>} : memref<1280x64xf32, #tpu.memory_space<vmem>>, vector<1x16xf32>,
      %get3A_515 = vector.shape_cast %get3A_514 : vector<1x16xf32> to vector<16xf32>
      %add3A_516 = arith.addf %add3A_507, %get3A_515 : vector<16xf32>
      %mul3A_517 = arith.constant 20 : i32
      %mul3A_518 = arith.muli %scan3A_36, %mul3A_517 : i32
      %add3A_519 = arith.constant 11 : i32
      %add3A_520 = arith.addi %mul3A_518, %add3A_519 : i32
      %get3A_521 = arith.index_cast %add3A_520 : i32 to index
      %get3A_522 = arith.constant 32 : index
      %get3A_523 = tpu.vector_load %arg6[%get3A_521, %get3A_522] {strides = array<i32>} : memref<1280x64xf32, #tpu.memory_space<vmem>>, vector<1x16xf32>,
      %get3A_524 = vector.shape_cast %get3A_523 : vector<1x16xf32> to vector<16xf32>
      %add3A_525 = arith.addf %add3A_516, %get3A_524 : vector<16xf32>
      %mul3A_526 = arith.constant 20 : i32
      %mul3A_527 = arith.muli %scan3A_36, %mul3A_526 : i32
      %add3A_528 = arith.constant 12 : i32
      %add3A_529 = arith.addi %mul3A_527, %add3A_528 : i32
      %get3A_530 = arith.index_cast %add3A_529 : i32 to index
      %get3A_531 = arith.constant 32 : index
      %get3A_532 = tpu.vector_load %arg6[%get3A_530, %get3A_531] {strides = array<i32>} : memref<1280x64xf32, #tpu.memory_space<vmem>>, vector<1x16xf32>,
      %get3A_533 = vector.shape_cast %get3A_532 : vector<1x16xf32> to vector<16xf32>
      %add3A_534 = arith.addf %add3A_525, %get3A_533 : vector<16xf32>
      %mul3A_535 = arith.constant 20 : i32
      %mul3A_536 = arith.muli %scan3A_36, %mul3A_535 : i32
      %add3A_537 = arith.constant 13 : i32
      %add3A_538 = arith.addi %mul3A_536, %add3A_537 : i32
      %get3A_539 = arith.index_cast %add3A_538 : i32 to index
      %get3A_540 = arith.constant 32 : index
      %get3A_541 = tpu.vector_load %arg6[%get3A_539, %get3A_540] {strides = array<i32>} : memref<1280x64xf32, #tpu.memory_space<vmem>>, vector<1x16xf32>,
      %get3A_542 = vector.shape_cast %get3A_541 : vector<1x16xf32> to vector<16xf32>
      %add3A_543 = arith.addf %add3A_534, %get3A_542 : vector<16xf32>
      %mul3A_544 = arith.constant 20 : i32
      %mul3A_545 = arith.muli %scan3A_36, %mul3A_544 : i32
      %add3A_546 = arith.constant 14 : i32
      %add3A_547 = arith.addi %mul3A_545, %add3A_546 : i32
      %get3A_548 = arith.index_cast %add3A_547 : i32 to index
      %get3A_549 = arith.constant 32 : index
      %get3A_550 = tpu.vector_load %arg6[%get3A_548, %get3A_549] {strides = array<i32>} : memref<1280x64xf32, #tpu.memory_space<vmem>>, vector<1x16xf32>,
      %get3A_551 = vector.shape_cast %get3A_550 : vector<1x16xf32> to vector<16xf32>
      %add3A_552 = arith.addf %add3A_543, %get3A_551 : vector<16xf32>
      %mul3A_553 = arith.constant 20 : i32
      %mul3A_554 = arith.muli %scan3A_36, %mul3A_553 : i32
      %add3A_555 = arith.constant 15 : i32
      %add3A_556 = arith.addi %mul3A_554, %add3A_555 : i32
      %get3A_557 = arith.index_cast %add3A_556 : i32 to index
      %get3A_558 = arith.constant 32 : index
      %get3A_559 = tpu.vector_load %arg6[%get3A_557, %get3A_558] {strides = array<i32>} : memref<1280x64xf32, #tpu.memory_space<vmem>>, vector<1x16xf32>,
      %get3A_560 = vector.shape_cast %get3A_559 : vector<1x16xf32> to vector<16xf32>
      %add3A_561 = arith.addf %add3A_552, %get3A_560 : vector<16xf32>
      %mul3A_562 = arith.constant 20 : i32
      %mul3A_563 = arith.muli %scan3A_36, %mul3A_562 : i32
      %add3A_564 = arith.constant 16 : i32
      %add3A_565 = arith.addi %mul3A_563, %add3A_564 : i32
      %get3A_566 = arith.index_cast %add3A_565 : i32 to index
      %get3A_567 = arith.constant 32 : index
      %get3A_568 = tpu.vector_load %arg6[%get3A_566, %get3A_567] {strides = array<i32>} : memref<1280x64xf32, #tpu.memory_space<vmem>>, vector<1x16xf32>,
      %get3A_569 = vector.shape_cast %get3A_568 : vector<1x16xf32> to vector<16xf32>
      %add3A_570 = arith.addf %add3A_561, %get3A_569 : vector<16xf32>
      %mul3A_571 = arith.constant 20 : i32
      %mul3A_572 = arith.muli %scan3A_36, %mul3A_571 : i32
      %add3A_573 = arith.constant 17 : i32
      %add3A_574 = arith.addi %mul3A_572, %add3A_573 : i32
      %get3A_575 = arith.index_cast %add3A_574 : i32 to index
      %get3A_576 = arith.constant 32 : index
      %get3A_577 = tpu.vector_load %arg6[%get3A_575, %get3A_576] {strides = array<i32>} : memref<1280x64xf32, #tpu.memory_space<vmem>>, vector<1x16xf32>,
      %get3A_578 = vector.shape_cast %get3A_577 : vector<1x16xf32> to vector<16xf32>
      %add3A_579 = arith.addf %add3A_570, %get3A_578 : vector<16xf32>
      %mul3A_580 = arith.constant 20 : i32
      %mul3A_581 = arith.muli %scan3A_36, %mul3A_580 : i32
      %add3A_582 = arith.constant 18 : i32
      %add3A_583 = arith.addi %mul3A_581, %add3A_582 : i32
      %get3A_584 = arith.index_cast %add3A_583 : i32 to index
      %get3A_585 = arith.constant 32 : index
      %get3A_586 = tpu.vector_load %arg6[%get3A_584, %get3A_585] {strides = array<i32>} : memref<1280x64xf32, #tpu.memory_space<vmem>>, vector<1x16xf32>,
      %get3A_587 = vector.shape_cast %get3A_586 : vector<1x16xf32> to vector<16xf32>
      %add3A_588 = arith.addf %add3A_579, %get3A_587 : vector<16xf32>
      %mul3A_589 = arith.constant 20 : i32
      %mul3A_590 = arith.muli %scan3A_36, %mul3A_589 : i32
      %add3A_591 = arith.constant 19 : i32
      %add3A_592 = arith.addi %mul3A_590, %add3A_591 : i32
      %get3A_593 = arith.index_cast %add3A_592 : i32 to index
      %get3A_594 = arith.constant 32 : index
      %get3A_595 = tpu.vector_load %arg6[%get3A_593, %get3A_594] {strides = array<i32>} : memref<1280x64xf32, #tpu.memory_space<vmem>>, vector<1x16xf32>,
      %get3A_596 = vector.shape_cast %get3A_595 : vector<1x16xf32> to vector<16xf32>
      %add3A_597 = arith.addf %add3A_588, %get3A_596 : vector<16xf32>
      %neg3A_598 = arith.constant 0.000000e+00 : f32
      %neg3A_599 = vector.broadcast %neg3A_598 : f32 to vector<16xf32>
      %neg3A_600 = arith.subf %neg3A_599, %add3A_597 : vector<16xf32>
      %exp3A_601 = math.exp %neg3A_600 : vector<16xf32>
      %add3A_602 = arith.constant 1.000000e+00 : f32
      %add3A_603 = vector.broadcast %add3A_602 : f32 to vector<16xf32>
      %add3A_604 = arith.addf %add3A_603, %exp3A_601 : vector<16xf32>
      %div3A_605 = arith.constant 1.000000e+00 : f32
      %div3A_606 = vector.broadcast %div3A_605 : f32 to vector<16xf32>
      %div3A_607 = arith.divf %div3A_606, %add3A_604 : vector<16xf32>
      %add3A_608 = arith.constant 64 : i32
      %add3A_609 = arith.addi %add3A_608, %scan3A_36 : i32
      %swap3A_610 = arith.index_cast %add3A_609 : i32 to index
      %swap3A_611 = arith.constant 32 : index
      %swap3A_612 = tpu.vector_load %arg7[%swap3A_610, %swap3A_611] {strides = array<i32>} : memref<128x64xf32, #tpu.memory_space<vmem>>, vector<1x16xf32>,
      %swap3A_613 = vector.shape_cast %swap3A_612 : vector<1x16xf32> to vector<16xf32>
      %swap3A_614 = vector.shape_cast %div3A_607 : vector<16xf32> to vector<1x16xf32>
      tpu.vector_store %arg7[%swap3A_610, %swap3A_611], %swap3A_614 {strides = array<i32>} : memref<128x64xf32, #tpu.memory_space<vmem>>, vector<1x16xf32>,
      %mul3A_615 = arith.constant 20 : i32
      %mul3A_616 = arith.muli %scan3A_36, %mul3A_615 : i32
      %get3A_617 = arith.index_cast %mul3A_616 : i32 to index
      %get3A_618 = arith.constant 48 : index
      %get3A_619 = tpu.vector_load %arg6[%get3A_617, %get3A_618] {strides = array<i32>} : memref<1280x64xf32, #tpu.memory_space<vmem>>, vector<1x16xf32>,
      %get3A_620 = vector.shape_cast %get3A_619 : vector<1x16xf32> to vector<16xf32>
      %mul3A_621 = arith.constant 20 : i32
      %mul3A_622 = arith.muli %scan3A_36, %mul3A_621 : i32
      %add3A_623 = arith.constant 1 : i32
      %add3A_624 = arith.addi %mul3A_622, %add3A_623 : i32
      %get3A_625 = arith.index_cast %add3A_624 : i32 to index
      %get3A_626 = arith.constant 48 : index
      %get3A_627 = tpu.vector_load %arg6[%get3A_625, %get3A_626] {strides = array<i32>} : memref<1280x64xf32, #tpu.memory_space<vmem>>, vector<1x16xf32>,
      %get3A_628 = vector.shape_cast %get3A_627 : vector<1x16xf32> to vector<16xf32>
      %add3A_629 = arith.addf %get3A_620, %get3A_628 : vector<16xf32>
      %mul3A_630 = arith.constant 20 : i32
      %mul3A_631 = arith.muli %scan3A_36, %mul3A_630 : i32
      %add3A_632 = arith.constant 2 : i32
      %add3A_633 = arith.addi %mul3A_631, %add3A_632 : i32
      %get3A_634 = arith.index_cast %add3A_633 : i32 to index
      %get3A_635 = arith.constant 48 : index
      %get3A_636 = tpu.vector_load %arg6[%get3A_634, %get3A_635] {strides = array<i32>} : memref<1280x64xf32, #tpu.memory_space<vmem>>, vector<1x16xf32>,
      %get3A_637 = vector.shape_cast %get3A_636 : vector<1x16xf32> to vector<16xf32>
      %add3A_638 = arith.addf %add3A_629, %get3A_637 : vector<16xf32>
      %mul3A_639 = arith.constant 20 : i32
      %mul3A_640 = arith.muli %scan3A_36, %mul3A_639 : i32
      %add3A_641 = arith.constant 3 : i32
      %add3A_642 = arith.addi %mul3A_640, %add3A_641 : i32
      %get3A_643 = arith.index_cast %add3A_642 : i32 to index
      %get3A_644 = arith.constant 48 : index
      %get3A_645 = tpu.vector_load %arg6[%get3A_643, %get3A_644] {strides = array<i32>} : memref<1280x64xf32, #tpu.memory_space<vmem>>, vector<1x16xf32>,
      %get3A_646 = vector.shape_cast %get3A_645 : vector<1x16xf32> to vector<16xf32>
      %add3A_647 = arith.addf %add3A_638, %get3A_646 : vector<16xf32>
      %mul3A_648 = arith.constant 20 : i32
      %mul3A_649 = arith.muli %scan3A_36, %mul3A_648 : i32
      %add3A_650 = arith.constant 4 : i32
      %add3A_651 = arith.addi %mul3A_649, %add3A_650 : i32
      %get3A_652 = arith.index_cast %add3A_651 : i32 to index
      %get3A_653 = arith.constant 48 : index
      %get3A_654 = tpu.vector_load %arg6[%get3A_652, %get3A_653] {strides = array<i32>} : memref<1280x64xf32, #tpu.memory_space<vmem>>, vector<1x16xf32>,
      %get3A_655 = vector.shape_cast %get3A_654 : vector<1x16xf32> to vector<16xf32>
      %add3A_656 = arith.addf %add3A_647, %get3A_655 : vector<16xf32>
      %mul3A_657 = arith.constant 20 : i32
      %mul3A_658 = arith.muli %scan3A_36, %mul3A_657 : i32
      %add3A_659 = arith.constant 5 : i32
      %add3A_660 = arith.addi %mul3A_658, %add3A_659 : i32
      %get3A_661 = arith.index_cast %add3A_660 : i32 to index
      %get3A_662 = arith.constant 48 : index
      %get3A_663 = tpu.vector_load %arg6[%get3A_661, %get3A_662] {strides = array<i32>} : memref<1280x64xf32, #tpu.memory_space<vmem>>, vector<1x16xf32>,
      %get3A_664 = vector.shape_cast %get3A_663 : vector<1x16xf32> to vector<16xf32>
      %add3A_665 = arith.addf %add3A_656, %get3A_664 : vector<16xf32>
      %mul3A_666 = arith.constant 20 : i32
      %mul3A_667 = arith.muli %scan3A_36, %mul3A_666 : i32
      %add3A_668 = arith.constant 6 : i32
      %add3A_669 = arith.addi %mul3A_667, %add3A_668 : i32
      %get3A_670 = arith.index_cast %add3A_669 : i32 to index
      %get3A_671 = arith.constant 48 : index
      %get3A_672 = tpu.vector_load %arg6[%get3A_670, %get3A_671] {strides = array<i32>} : memref<1280x64xf32, #tpu.memory_space<vmem>>, vector<1x16xf32>,
      %get3A_673 = vector.shape_cast %get3A_672 : vector<1x16xf32> to vector<16xf32>
      %add3A_674 = arith.addf %add3A_665, %get3A_673 : vector<16xf32>
      %mul3A_675 = arith.constant 20 : i32
      %mul3A_676 = arith.muli %scan3A_36, %mul3A_675 : i32
      %add3A_677 = arith.constant 7 : i32
      %add3A_678 = arith.addi %mul3A_676, %add3A_677 : i32
      %get3A_679 = arith.index_cast %add3A_678 : i32 to index
      %get3A_680 = arith.constant 48 : index
      %get3A_681 = tpu.vector_load %arg6[%get3A_679, %get3A_680] {strides = array<i32>} : memref<1280x64xf32, #tpu.memory_space<vmem>>, vector<1x16xf32>,
      %get3A_682 = vector.shape_cast %get3A_681 : vector<1x16xf32> to vector<16xf32>
      %add3A_683 = arith.addf %add3A_674, %get3A_682 : vector<16xf32>
      %mul3A_684 = arith.constant 20 : i32
      %mul3A_685 = arith.muli %scan3A_36, %mul3A_684 : i32
      %add3A_686 = arith.constant 8 : i32
      %add3A_687 = arith.addi %mul3A_685, %add3A_686 : i32
      %get3A_688 = arith.index_cast %add3A_687 : i32 to index
      %get3A_689 = arith.constant 48 : index
      %get3A_690 = tpu.vector_load %arg6[%get3A_688, %get3A_689] {strides = array<i32>} : memref<1280x64xf32, #tpu.memory_space<vmem>>, vector<1x16xf32>,
      %get3A_691 = vector.shape_cast %get3A_690 : vector<1x16xf32> to vector<16xf32>
      %add3A_692 = arith.addf %add3A_683, %get3A_691 : vector<16xf32>
      %mul3A_693 = arith.constant 20 : i32
      %mul3A_694 = arith.muli %scan3A_36, %mul3A_693 : i32
      %add3A_695 = arith.constant 9 : i32
      %add3A_696 = arith.addi %mul3A_694, %add3A_695 : i32
      %get3A_697 = arith.index_cast %add3A_696 : i32 to index
      %get3A_698 = arith.constant 48 : index
      %get3A_699 = tpu.vector_load %arg6[%get3A_697, %get3A_698] {strides = array<i32>} : memref<1280x64xf32, #tpu.memory_space<vmem>>, vector<1x16xf32>,
      %get3A_700 = vector.shape_cast %get3A_699 : vector<1x16xf32> to vector<16xf32>
      %add3A_701 = arith.addf %add3A_692, %get3A_700 : vector<16xf32>
      %mul3A_702 = arith.constant 20 : i32
      %mul3A_703 = arith.muli %scan3A_36, %mul3A_702 : i32
      %add3A_704 = arith.constant 10 : i32
      %add3A_705 = arith.addi %mul3A_703, %add3A_704 : i32
      %get3A_706 = arith.index_cast %add3A_705 : i32 to index
      %get3A_707 = arith.constant 48 : index
      %get3A_708 = tpu.vector_load %arg6[%get3A_706, %get3A_707] {strides = array<i32>} : memref<1280x64xf32, #tpu.memory_space<vmem>>, vector<1x16xf32>,
      %get3A_709 = vector.shape_cast %get3A_708 : vector<1x16xf32> to vector<16xf32>
      %add3A_710 = arith.addf %add3A_701, %get3A_709 : vector<16xf32>
      %mul3A_711 = arith.constant 20 : i32
      %mul3A_712 = arith.muli %scan3A_36, %mul3A_711 : i32
      %add3A_713 = arith.constant 11 : i32
      %add3A_714 = arith.addi %mul3A_712, %add3A_713 : i32
      %get3A_715 = arith.index_cast %add3A_714 : i32 to index
      %get3A_716 = arith.constant 48 : index
      %get3A_717 = tpu.vector_load %arg6[%get3A_715, %get3A_716] {strides = array<i32>} : memref<1280x64xf32, #tpu.memory_space<vmem>>, vector<1x16xf32>,
      %get3A_718 = vector.shape_cast %get3A_717 : vector<1x16xf32> to vector<16xf32>
      %add3A_719 = arith.addf %add3A_710, %get3A_718 : vector<16xf32>
      %mul3A_720 = arith.constant 20 : i32
      %mul3A_721 = arith.muli %scan3A_36, %mul3A_720 : i32
      %add3A_722 = arith.constant 12 : i32
      %add3A_723 = arith.addi %mul3A_721, %add3A_722 : i32
      %get3A_724 = arith.index_cast %add3A_723 : i32 to index
      %get3A_725 = arith.constant 48 : index
      %get3A_726 = tpu.vector_load %arg6[%get3A_724, %get3A_725] {strides = array<i32>} : memref<1280x64xf32, #tpu.memory_space<vmem>>, vector<1x16xf32>,
      %get3A_727 = vector.shape_cast %get3A_726 : vector<1x16xf32> to vector<16xf32>
      %add3A_728 = arith.addf %add3A_719, %get3A_727 : vector<16xf32>
      %mul3A_729 = arith.constant 20 : i32
      %mul3A_730 = arith.muli %scan3A_36, %mul3A_729 : i32
      %add3A_731 = arith.constant 13 : i32
      %add3A_732 = arith.addi %mul3A_730, %add3A_731 : i32
      %get3A_733 = arith.index_cast %add3A_732 : i32 to index
      %get3A_734 = arith.constant 48 : index
      %get3A_735 = tpu.vector_load %arg6[%get3A_733, %get3A_734] {strides = array<i32>} : memref<1280x64xf32, #tpu.memory_space<vmem>>, vector<1x16xf32>,
      %get3A_736 = vector.shape_cast %get3A_735 : vector<1x16xf32> to vector<16xf32>
      %add3A_737 = arith.addf %add3A_728, %get3A_736 : vector<16xf32>
      %mul3A_738 = arith.constant 20 : i32
      %mul3A_739 = arith.muli %scan3A_36, %mul3A_738 : i32
      %add3A_740 = arith.constant 14 : i32
      %add3A_741 = arith.addi %mul3A_739, %add3A_740 : i32
      %get3A_742 = arith.index_cast %add3A_741 : i32 to index
      %get3A_743 = arith.constant 48 : index
      %get3A_744 = tpu.vector_load %arg6[%get3A_742, %get3A_743] {strides = array<i32>} : memref<1280x64xf32, #tpu.memory_space<vmem>>, vector<1x16xf32>,
      %get3A_745 = vector.shape_cast %get3A_744 : vector<1x16xf32> to vector<16xf32>
      %add3A_746 = arith.addf %add3A_737, %get3A_745 : vector<16xf32>
      %mul3A_747 = arith.constant 20 : i32
      %mul3A_748 = arith.muli %scan3A_36, %mul3A_747 : i32
      %add3A_749 = arith.constant 15 : i32
      %add3A_750 = arith.addi %mul3A_748, %add3A_749 : i32
      %get3A_751 = arith.index_cast %add3A_750 : i32 to index
      %get3A_752 = arith.constant 48 : index
      %get3A_753 = tpu.vector_load %arg6[%get3A_751, %get3A_752] {strides = array<i32>} : memref<1280x64xf32, #tpu.memory_space<vmem>>, vector<1x16xf32>,
      %get3A_754 = vector.shape_cast %get3A_753 : vector<1x16xf32> to vector<16xf32>
      %add3A_755 = arith.addf %add3A_746, %get3A_754 : vector<16xf32>
      %mul3A_756 = arith.constant 20 : i32
      %mul3A_757 = arith.muli %scan3A_36, %mul3A_756 : i32
      %add3A_758 = arith.constant 16 : i32
      %add3A_759 = arith.addi %mul3A_757, %add3A_758 : i32
      %get3A_760 = arith.index_cast %add3A_759 : i32 to index
      %get3A_761 = arith.constant 48 : index
      %get3A_762 = tpu.vector_load %arg6[%get3A_760, %get3A_761] {strides = array<i32>} : memref<1280x64xf32, #tpu.memory_space<vmem>>, vector<1x16xf32>,
      %get3A_763 = vector.shape_cast %get3A_762 : vector<1x16xf32> to vector<16xf32>
      %add3A_764 = arith.addf %add3A_755, %get3A_763 : vector<16xf32>
      %mul3A_765 = arith.constant 20 : i32
      %mul3A_766 = arith.muli %scan3A_36, %mul3A_765 : i32
      %add3A_767 = arith.constant 17 : i32
      %add3A_768 = arith.addi %mul3A_766, %add3A_767 : i32
      %get3A_769 = arith.index_cast %add3A_768 : i32 to index
      %get3A_770 = arith.constant 48 : index
      %get3A_771 = tpu.vector_load %arg6[%get3A_769, %get3A_770] {strides = array<i32>} : memref<1280x64xf32, #tpu.memory_space<vmem>>, vector<1x16xf32>,
      %get3A_772 = vector.shape_cast %get3A_771 : vector<1x16xf32> to vector<16xf32>
      %add3A_773 = arith.addf %add3A_764, %get3A_772 : vector<16xf32>
      %mul3A_774 = arith.constant 20 : i32
      %mul3A_775 = arith.muli %scan3A_36, %mul3A_774 : i32
      %add3A_776 = arith.constant 18 : i32
      %add3A_777 = arith.addi %mul3A_775, %add3A_776 : i32
      %get3A_778 = arith.index_cast %add3A_777 : i32 to index
      %get3A_779 = arith.constant 48 : index
      %get3A_780 = tpu.vector_load %arg6[%get3A_778, %get3A_779] {strides = array<i32>} : memref<1280x64xf32, #tpu.memory_space<vmem>>, vector<1x16xf32>,
      %get3A_781 = vector.shape_cast %get3A_780 : vector<1x16xf32> to vector<16xf32>
      %add3A_782 = arith.addf %add3A_773, %get3A_781 : vector<16xf32>
      %mul3A_783 = arith.constant 20 : i32
      %mul3A_784 = arith.muli %scan3A_36, %mul3A_783 : i32
      %add3A_785 = arith.constant 19 : i32
      %add3A_786 = arith.addi %mul3A_784, %add3A_785 : i32
      %get3A_787 = arith.index_cast %add3A_786 : i32 to index
      %get3A_788 = arith.constant 48 : index
      %get3A_789 = tpu.vector_load %arg6[%get3A_787, %get3A_788] {strides = array<i32>} : memref<1280x64xf32, #tpu.memory_space<vmem>>, vector<1x16xf32>,
      %get3A_790 = vector.shape_cast %get3A_789 : vector<1x16xf32> to vector<16xf32>
      %add3A_791 = arith.addf %add3A_782, %get3A_790 : vector<16xf32>
      %neg3A_792 = arith.constant 0.000000e+00 : f32
      %neg3A_793 = vector.broadcast %neg3A_792 : f32 to vector<16xf32>
      %neg3A_794 = arith.subf %neg3A_793, %add3A_791 : vector<16xf32>
      %exp3A_795 = math.exp %neg3A_794 : vector<16xf32>
      %add3A_796 = arith.constant 1.000000e+00 : f32
      %add3A_797 = vector.broadcast %add3A_796 : f32 to vector<16xf32>
      %add3A_798 = arith.addf %add3A_797, %exp3A_795 : vector<16xf32>
      %div3A_799 = arith.constant 1.000000e+00 : f32
      %div3A_800 = vector.broadcast %div3A_799 : f32 to vector<16xf32>
      %div3A_801 = arith.divf %div3A_800, %add3A_798 : vector<16xf32>
      %add3A_802 = arith.constant 64 : i32
      %add3A_803 = arith.addi %add3A_802, %scan3A_36 : i32
      %swap3A_804 = arith.index_cast %add3A_803 : i32 to index
      %swap3A_805 = arith.constant 48 : index
      %swap3A_806 = tpu.vector_load %arg7[%swap3A_804, %swap3A_805] {strides = array<i32>} : memref<128x64xf32, #tpu.memory_space<vmem>>, vector<1x16xf32>,
      %swap3A_807 = vector.shape_cast %swap3A_806 : vector<1x16xf32> to vector<16xf32>
      %swap3A_808 = vector.shape_cast %div3A_801 : vector<16xf32> to vector<1x16xf32>
      tpu.vector_store %arg7[%swap3A_804, %swap3A_805], %swap3A_808 {strides = array<i32>} : memref<128x64xf32, #tpu.memory_space<vmem>>, vector<1x16xf32>,
      %scan3A_809 = arith.constant 0 : i32
      scf.yield %scan3A_809 : i32
    }
    %scan3A_35 = arith.constant 64 : i32
    "tpu.region"() ({
      %run_scoped3A = tpu.sem_alloc : memref<!tpu.dma_semaphore, #tpu.memory_space<semaphore_mem>>
      %dma_start3A_36 = arith.constant 0 : i32
      %dma_start3A_37 = tpu.memref_slice %arg4[%mul3A_2, %dma_start3A_36] : memref<4096x64xf32, #tpu.memory_space<hbm>> -> memref<128x64xf32, #tpu.memory_space<hbm>>
      %dma_start3A_38 = arith.constant 0 : i32
      %dma_start3A_39 = tpu.memref_slice %arg4[%mul3A_2, %dma_start3A_38] : memref<4096x64xf32, #tpu.memory_space<hbm>> -> memref<128x64xf32, #tpu.memory_space<hbm>>
      tpu.enqueue_dma source(%arg7 : memref<128x64xf32, #tpu.memory_space<vmem>>) target(%dma_start3A_39 : memref<128x64xf32, #tpu.memory_space<hbm>>) target_semaphore(%run_scoped3A : memref<!tpu.dma_semaphore, #tpu.memory_space<semaphore_mem>>)
      %dma_wait3A_40 = arith.constant 0 : i32
      %dma_wait3A_41 = tpu.memref_slice %arg4[%mul3A_2, %dma_wait3A_40] : memref<4096x64xf32, #tpu.memory_space<hbm>> -> memref<128x64xf32, #tpu.memory_space<hbm>>
      %dma_wait3A_42 = arith.constant 0 : i32
      %dma_wait3A_43 = tpu.memref_slice %arg4[%mul3A_2, %dma_wait3A_42] : memref<4096x64xf32, #tpu.memory_space<hbm>> -> memref<128x64xf32, #tpu.memory_space<hbm>>
      tpu.wait_dma2 semaphore(%run_scoped3A : memref<!tpu.dma_semaphore, #tpu.memory_space<semaphore_mem>>) src(%arg7 : memref<128x64xf32, #tpu.memory_space<vmem>>) dst(%dma_wait3A_43 : memref<128x64xf32, #tpu.memory_space<hbm>>)
      tpu.yield
    }) : () -> ()
    return
  }
}

module attributes {stable_mosaic.version = 14 : i64} {
  func.func @_logz_body(%arg0: i32, %arg1: i32, %arg2: memref<1024x64xbf16, #tpu.memory_space<vmem>>, %arg3: memref<2048x64xbf16, #tpu.memory_space<vmem>>, %arg4: memref<1x2048xf32, #tpu.memory_space<vmem>>, %arg5: memref<1024x1xf32, #tpu.memory_space<vmem>>, %arg6: memref<1024x1xf32, #tpu.memory_space<vmem>>, %arg7: memref<1024x1xf32, #tpu.memory_space<vmem>>) attributes {dimension_semantics = [#tpu.dimension_semantics<arbitrary>, #tpu.dimension_semantics<arbitrary>], iteration_bounds = array<i64: 4, 49>, scalar_prefetch = 0 : i64, scratch_operands = 2 : i64, tpu.core_type = #tpu.core_type<tc>, window_params = [{transform_indices = @transform_0, window_bounds = array<i64: 1024, 64>}, {transform_indices = @transform_1, window_bounds = array<i64: 2048, 64>}, {transform_indices = @transform_2, window_bounds = array<i64: 1, 2048>}, {transform_indices = @transform_3, window_bounds = array<i64: 1024, 1>}]} {
    %eq3A = arith.constant 0 : i32
    %eq3A_0 = arith.cmpi eq, %arg1, %eq3A : i32
    %convert_element_type3A = arith.extui %eq3A_0 : i1 to i32
    %cond3A = arith.constant 0 : i32
    %cond3A_1 = arith.cmpi ne, %convert_element_type3A, %cond3A : i32
    scf.if %cond3A_1 {
      %broadcast_in_dim3A_35 = arith.constant 0xFF800000 : f32
      %broadcast_in_dim3A_36 = vector.broadcast %broadcast_in_dim3A_35 : f32 to vector<1024x1xf32>
      %swap3A_37 = arith.constant 0 : index
      %swap3A_38 = arith.constant 0 : index
      %swap3A_39 = vector.load %arg6[%swap3A_37, %swap3A_38] : memref<1024x1xf32, #tpu.memory_space<vmem>>, vector<1024x1xf32>
      tpu.vector_store %arg6[%swap3A_37, %swap3A_38], %broadcast_in_dim3A_36 {strides = array<i32>} : memref<1024x1xf32, #tpu.memory_space<vmem>>, vector<1024x1xf32>,
      %broadcast_in_dim3A_40 = arith.constant 0.000000e+00 : f32
      %broadcast_in_dim3A_41 = vector.broadcast %broadcast_in_dim3A_40 : f32 to vector<1024x1xf32>
      %swap3A_42 = arith.constant 0 : index
      %swap3A_43 = arith.constant 0 : index
      %swap3A_44 = vector.load %arg7[%swap3A_42, %swap3A_43] : memref<1024x1xf32, #tpu.memory_space<vmem>>, vector<1024x1xf32>
      tpu.vector_store %arg7[%swap3A_42, %swap3A_43], %broadcast_in_dim3A_41 {strides = array<i32>} : memref<1024x1xf32, #tpu.memory_space<vmem>>, vector<1024x1xf32>,
    } else {
    }
    %get3A = arith.constant 0 : index
    %get3A_2 = arith.constant 0 : index
    %get3A_3 = vector.load %arg2[%get3A, %get3A_2] : memref<1024x64xbf16, #tpu.memory_space<vmem>>, vector<1024x64xbf16>
    %get3A_4 = arith.constant 0 : index
    %get3A_5 = arith.constant 0 : index
    %get3A_6 = vector.load %arg3[%get3A_4, %get3A_5] : memref<2048x64xbf16, #tpu.memory_space<vmem>>, vector<2048x64xbf16>
    %dot_general3A = arith.constant dense<0.000000e+00> : vector<1024x2048xf32>
    %dot_general3A_7 = tpu.matmul %get3A_3, %get3A_6, %dot_general3A {dimension_numbers = #tpu.dot_dimension_numbers<[1], [1], [0], [0], [0, 0, 1, 0], [], []>, transpose_lhs_hint = false} : vector<1024x64xbf16>, vector<2048x64xbf16>, vector<1024x2048xf32> -> vector<1024x2048xf32>
    %get3A_8 = arith.constant 0 : index
    %get3A_9 = arith.constant 0 : index
    %get3A_10 = vector.load %arg4[%get3A_8, %get3A_9] : memref<1x2048xf32, #tpu.memory_space<vmem>>, vector<1x2048xf32>
    %add3A = vector.broadcast %get3A_10 : vector<1x2048xf32> to vector<1024x2048xf32>
    %add3A_11 = arith.addf %dot_general3A_7, %add3A : vector<1024x2048xf32>
    %reduce_max3A = arith.constant dense<0xFF800000> : vector<1024xf32>
    %reduce_max3A_12 = vector.multi_reduction <maximumf>, %add3A_11, %reduce_max3A [1] : vector<1024x2048xf32> to vector<1024xf32>
    %broadcast_in_dim3A = vector.shape_cast %reduce_max3A_12 : vector<1024xf32> to vector<1024x1xf32>
    %get3A_13 = arith.constant 0 : index
    %get3A_14 = arith.constant 0 : index
    %get3A_15 = vector.load %arg6[%get3A_13, %get3A_14] : memref<1024x1xf32, #tpu.memory_space<vmem>>, vector<1024x1xf32>
    %max3A = arith.maximumf %get3A_15, %broadcast_in_dim3A : vector<1024x1xf32>
    %get3A_16 = arith.constant 0 : index
    %get3A_17 = arith.constant 0 : index
    %get3A_18 = vector.load %arg7[%get3A_16, %get3A_17] : memref<1024x1xf32, #tpu.memory_space<vmem>>, vector<1024x1xf32>
    %sub3A = arith.subf %get3A_15, %max3A : vector<1024x1xf32>
    %exp3A = math.exp %sub3A : vector<1024x1xf32>
    %mul3A = arith.mulf %get3A_18, %exp3A : vector<1024x1xf32>
    %sub3A_19 = vector.broadcast %max3A : vector<1024x1xf32> to vector<1024x2048xf32>
    %sub3A_20 = arith.subf %add3A_11, %sub3A_19 : vector<1024x2048xf32>
    %exp3A_21 = math.exp %sub3A_20 : vector<1024x2048xf32>
    %reduce_sum3A = arith.constant dense<0.000000e+00> : vector<1024xf32>
    %reduce_sum3A_22 = vector.multi_reduction <add>, %exp3A_21, %reduce_sum3A [1] : vector<1024x2048xf32> to vector<1024xf32>
    %broadcast_in_dim3A_23 = vector.shape_cast %reduce_sum3A_22 : vector<1024xf32> to vector<1024x1xf32>
    %add3A_24 = arith.addf %mul3A, %broadcast_in_dim3A_23 : vector<1024x1xf32>
    %swap3A = arith.constant 0 : index
    %swap3A_25 = arith.constant 0 : index
    %swap3A_26 = vector.load %arg7[%swap3A, %swap3A_25] : memref<1024x1xf32, #tpu.memory_space<vmem>>, vector<1024x1xf32>
    tpu.vector_store %arg7[%swap3A, %swap3A_25], %add3A_24 {strides = array<i32>} : memref<1024x1xf32, #tpu.memory_space<vmem>>, vector<1024x1xf32>,
    %swap3A_27 = arith.constant 0 : index
    %swap3A_28 = arith.constant 0 : index
    %swap3A_29 = vector.load %arg6[%swap3A_27, %swap3A_28] : memref<1024x1xf32, #tpu.memory_space<vmem>>, vector<1024x1xf32>
    tpu.vector_store %arg6[%swap3A_27, %swap3A_28], %max3A {strides = array<i32>} : memref<1024x1xf32, #tpu.memory_space<vmem>>, vector<1024x1xf32>,
    %eq3A_30 = arith.constant 48 : i32
    %eq3A_31 = arith.cmpi eq, %arg1, %eq3A_30 : i32
    %convert_element_type3A_32 = arith.extui %eq3A_31 : i1 to i32
    %cond3A_33 = arith.constant 0 : i32
    %cond3A_34 = arith.cmpi ne, %convert_element_type3A_32, %cond3A_33 : i32
    scf.if %cond3A_34 {
      %get3A_35 = arith.constant 0 : index
      %get3A_36 = arith.constant 0 : index
      %get3A_37 = vector.load %arg6[%get3A_35, %get3A_36] : memref<1024x1xf32, #tpu.memory_space<vmem>>, vector<1024x1xf32>
      %get3A_38 = arith.constant 0 : index
      %get3A_39 = arith.constant 0 : index
      %get3A_40 = vector.load %arg7[%get3A_38, %get3A_39] : memref<1024x1xf32, #tpu.memory_space<vmem>>, vector<1024x1xf32>
      %log3A = math.log %get3A_40 : vector<1024x1xf32>
      %add3A_41 = arith.addf %get3A_37, %log3A : vector<1024x1xf32>
      %swap3A_42 = arith.constant 0 : index
      %swap3A_43 = arith.constant 0 : index
      %swap3A_44 = vector.load %arg5[%swap3A_42, %swap3A_43] : memref<1024x1xf32, #tpu.memory_space<vmem>>, vector<1024x1xf32>
      tpu.vector_store %arg5[%swap3A_42, %swap3A_43], %add3A_41 {strides = array<i32>} : memref<1024x1xf32, #tpu.memory_space<vmem>>, vector<1024x1xf32>,
    } else {
    }
    return
  }
  func.func @transform_0(%arg0: i32, %arg1: i32) -> (i32, i32) {
    %c0_i32 = arith.constant 0 : i32
    %c0_i32_0 = arith.constant 0 : i32
    return %arg0, %c0_i32 : i32, i32
  }
  func.func @transform_1(%arg0: i32, %arg1: i32) -> (i32, i32) {
    %c0_i32 = arith.constant 0 : i32
    %c0_i32_0 = arith.constant 0 : i32
    return %arg1, %c0_i32 : i32, i32
  }
  func.func @transform_2(%arg0: i32, %arg1: i32) -> (i32, i32) {
    %c0_i32 = arith.constant 0 : i32
    %c0_i32_0 = arith.constant 0 : i32
    return %c0_i32, %arg1 : i32, i32
  }
  func.func @transform_3(%arg0: i32, %arg1: i32) -> (i32, i32) {
    %c0_i32 = arith.constant 0 : i32
    %c0_i32_0 = arith.constant 0 : i32
    return %arg0, %c0_i32 : i32, i32
  }
}

module attributes {stable_mosaic.version = 14 : i64} {
  func.func @_out_body(%arg0: i32, %arg1: i32, %arg2: memref<1024x64xbf16, #tpu.memory_space<vmem>>, %arg3: memref<2048x64xbf16, #tpu.memory_space<vmem>>, %arg4: memref<1x2048xf32, #tpu.memory_space<vmem>>, %arg5: memref<1024x1xf32, #tpu.memory_space<vmem>>, %arg6: memref<1024x2048xf32, #tpu.memory_space<vmem>>) attributes {dimension_semantics = [#tpu.dimension_semantics<arbitrary>, #tpu.dimension_semantics<arbitrary>], iteration_bounds = array<i64: 4, 49>, scalar_prefetch = 0 : i64, scratch_operands = 0 : i64, tpu.core_type = #tpu.core_type<tc>, window_params = [{transform_indices = @transform_0, window_bounds = array<i64: 1024, 64>}, {transform_indices = @transform_1, window_bounds = array<i64: 2048, 64>}, {transform_indices = @transform_2, window_bounds = array<i64: 1, 2048>}, {transform_indices = @transform_3, window_bounds = array<i64: 1024, 1>}, {transform_indices = @transform_4, window_bounds = array<i64: 1024, 2048>}]} {
    %get3A = arith.constant 0 : index
    %get3A_0 = arith.constant 0 : index
    %get3A_1 = vector.load %arg2[%get3A, %get3A_0] : memref<1024x64xbf16, #tpu.memory_space<vmem>>, vector<1024x64xbf16>
    %get3A_2 = arith.constant 0 : index
    %get3A_3 = arith.constant 0 : index
    %get3A_4 = vector.load %arg3[%get3A_2, %get3A_3] : memref<2048x64xbf16, #tpu.memory_space<vmem>>, vector<2048x64xbf16>
    %dot_general3A = arith.constant dense<0.000000e+00> : vector<1024x2048xf32>
    %dot_general3A_5 = tpu.matmul %get3A_1, %get3A_4, %dot_general3A {dimension_numbers = #tpu.dot_dimension_numbers<[1], [1], [0], [0], [0, 0, 1, 0], [], []>, transpose_lhs_hint = false} : vector<1024x64xbf16>, vector<2048x64xbf16>, vector<1024x2048xf32> -> vector<1024x2048xf32>
    %get3A_6 = arith.constant 0 : index
    %get3A_7 = arith.constant 0 : index
    %get3A_8 = vector.load %arg4[%get3A_6, %get3A_7] : memref<1x2048xf32, #tpu.memory_space<vmem>>, vector<1x2048xf32>
    %add3A = vector.broadcast %get3A_8 : vector<1x2048xf32> to vector<1024x2048xf32>
    %add3A_9 = arith.addf %dot_general3A_5, %add3A : vector<1024x2048xf32>
    %get3A_10 = arith.constant 0 : index
    %get3A_11 = arith.constant 0 : index
    %get3A_12 = vector.load %arg5[%get3A_10, %get3A_11] : memref<1024x1xf32, #tpu.memory_space<vmem>>, vector<1024x1xf32>
    %sub3A = vector.broadcast %get3A_12 : vector<1024x1xf32> to vector<1024x2048xf32>
    %sub3A_13 = arith.subf %add3A_9, %sub3A : vector<1024x2048xf32>
    %swap3A = arith.constant 0 : index
    %swap3A_14 = arith.constant 0 : index
    %swap3A_15 = vector.load %arg6[%swap3A, %swap3A_14] : memref<1024x2048xf32, #tpu.memory_space<vmem>>, vector<1024x2048xf32>
    tpu.vector_store %arg6[%swap3A, %swap3A_14], %sub3A_13 {strides = array<i32>} : memref<1024x2048xf32, #tpu.memory_space<vmem>>, vector<1024x2048xf32>,
    return
  }
  func.func @transform_0(%arg0: i32, %arg1: i32) -> (i32, i32) {
    %c0_i32 = arith.constant 0 : i32
    %c0_i32_0 = arith.constant 0 : i32
    return %arg0, %c0_i32 : i32, i32
  }
  func.func @transform_1(%arg0: i32, %arg1: i32) -> (i32, i32) {
    %c0_i32 = arith.constant 0 : i32
    %c0_i32_0 = arith.constant 0 : i32
    return %arg1, %c0_i32 : i32, i32
  }
  func.func @transform_2(%arg0: i32, %arg1: i32) -> (i32, i32) {
    %c0_i32 = arith.constant 0 : i32
    %c0_i32_0 = arith.constant 0 : i32
    return %c0_i32, %arg1 : i32, i32
  }
  func.func @transform_3(%arg0: i32, %arg1: i32) -> (i32, i32) {
    %c0_i32 = arith.constant 0 : i32
    %c0_i32_0 = arith.constant 0 : i32
    return %arg0, %c0_i32 : i32, i32
  }
  func.func @transform_4(%arg0: i32, %arg1: i32) -> (i32, i32) {
    %c0_i32 = arith.constant 0 : i32
    return %arg0, %arg1 : i32, i32
  }
}

</mosaic_0001>

<sc_bundles>
// kernel: kernel.5.cloned.1.call-start
scs
__scs_entry_jumppad:
0x0: {  	(pc) =	sbr.rel $0x88, $3  }
0x1: {  	(tag) =	ssettag $0x0;
	lr =	simm.s32 $0x1  }
0x2: {  	[smem:$0x3F9D] =	sst lr;
	_ =	strace $0xD0000000  }
0x3: {  	_ = 	snop  }
0x4: {  	_ = 	snop  }
0x5: {  	_ = 	snop  }
0x6: {  	_ = 	snop  }
0x7: {  	_ = 	snop  }
__scs_overlays_trampoline_lowered:
0x8: {  	[smem:$0x3FAC] =	sst s0  }
0x9: {  	[smem:$0x3FAD] =	sst s1  }
0xa: {  	[smem:$0x3FAE] =	sst s2  }
0xb: {  	[smem:$0x3FAF] =	sst s3  }
0xc: {  	[smem:$0x3FB0] =	sst s4  }
0xd: {  	[smem:$0x3FB1] =	sst s5  }
0xe: {  	[smem:$0x3FB2] =	sst s6  }
0xf: {  	[smem:$0x3FB3] =	sst s7  }
0x10: {  	[smem:$0x3FB4] =	sst s8  }
0x11: {  	[smem:$0x3FB5] =	sst s9;
	s0 =	simm.s32 @!p0 $0x0  }
0x12: {  	s1 =	sld [smem:$0x3F9B];
	s0 =	simm.s32 @p0 $0x1  }
0x13: {  	[smem:$0x3FB6] =	sst s0;
	s0 =	simm.s32 @!p1 $0x0  }
0x14: {  	s2 =	sld [smem:$0x3F9A];
	s0 =	simm.s32 @p1 $0x1  }
0x15: {  	[smem:$0x3FB7] =	sst s0;
	s0 =	simm.s32 @!p2 $0x0  }
0x16: {  	s3 =	sld [smem:$0x3FDB];
	s0 =	simm.s32 @p2 $0x1  }
0x17: {  	s4 =	simm.s32 $0x1BF5;
	[smem:$0x3FB9] =	sst s0  }
0x18: {  	s0 =	sld [smem:$0x3F9C];
	_ =	swait.ge [sflag:s4], $0x0  }
0x19: {  	s7 =	sld [smem:$0x3F9D]  }
0x1a: {  	s8 =	sadd.s32 $0xFFFFE003, lr  }
0x1b: {  	s9 =	sadd.s32 $0xFFFFFEF7, lr;
	s5 =	simm.s32 $0xFFFFFFFF;
	p2 =	slt.u32 s8, $0xFFFFF086  }
0x1c: {  	p1 =	slt.u32 s9, $0xF7A;
	s5 =	simm.s32 @!p2 $0x0  }
0x1d: {  	s5 =	simm.s32 @p1 $0x1;
	p0 =	seq.s32 s7, s2  }
0x1e: {  	s7 =	smul.u32 @!p0 $0xF7A, s2;
	p2 =	seq.s32 @!p0 s5, $0x0  }
0x1f: {  	s9 =	smul.u32 $0xF7A, s1;
	s8 =	simm.s32 @!p0 $0x1BF5;
	p2 =	por !p2, p0  }
0x20: {  	[sflag:s8] =	ssyncset.s32 @!p0 $0xFFFFF086;
	s6 =	sadd.s32 @!p0 s3, s7;
	s7 =	simm.s32 @!p0 $0x108  }
0x21: {  	s3 =	sadd.s32 s3, s9;
	s6 =	sadd.s32 @!p0 $0x88, s6;
	s7 =	simm.s32 @p2 $0x1082  }
0x22: {  	[simem:s7], [sflag:s8] =	dma.local @!p0 [hbm:s6], $0xF7A  }
0x23: {  	s9 =	sor.u32 $0xD0000000, s2;
	s6 =	simm.s32 $0x108;
	_ =	swait.ge @!p0 [sflag:s8], $0x0  }
0x24: {  	s3 =	sadd.s32 $0x88, s3;
	s6 =	simm.s32 @!p1 $0x1082;
	[sflag:s4] =	ssyncset.s32 $0xFFFFF086  }
0x25: {  	[simem:s6], [sflag:s4] =	dma.local [hbm:s3], $0xF7A  }
0x26: {  	[smem:$0x3F9D] =	sst s1;
	(tag) =	ssettag s2;
	_ =	strace s9  }
0x27: {  	s1 =	sld [smem:$0x3FAD]  }
0x28: {  	s2 =	sld [smem:$0x3FAE]  }
0x29: {  	s4 =	sld [smem:$0x3FB0]  }
0x2a: {  	p0 =	seq.s32 s5, $0x0;
	s5 =	sld [smem:$0x3FB1]  }
0x2b: {  	s6 =	sld [smem:$0x3FB2]  }
0x2c: {  	s7 =	sld [smem:$0x3FB3]  }
0x2d: {  	s3 =	simm.s32 $0x108;
	s8 =	sld [smem:$0x3FB4]  }
0x2e: {  	s3 =	simm.s32 @!p0 $0x1082;
	s9 =	sld [smem:$0x3FB5]  }
0x2f: {  	lr =	sadd.s32 s0, s3;
	s0 =	sld [smem:$0x3FAC]  }
0x30: {  	s3 =	sld [smem:$0x3FAF]  }
0x31: {  	[smem:$0x3FB8] =	sst s10  }
0x32: {  	s10 =	sld [smem:$0x3FB6];
	_ =	sdelay $0x3  }
0x33: {  	p0 =	seq.s32 s10, $0x1;
	s10 =	sld [smem:$0x3FB8];
	_ =	sdelay $0x3  }
0x34: {  	[smem:$0x3FB8] =	sst s10  }
0x35: {  	s10 =	sld [smem:$0x3FB7];
	_ =	sdelay $0x3  }
0x36: {  	p1 =	seq.s32 s10, $0x1;
	s10 =	sld [smem:$0x3FB8];
	_ =	sdelay $0x3  }
0x37: {  	[smem:$0x3FB8] =	sst s10  }
0x38: {  	s10 =	sld [smem:$0x3FB9]  }
0x39: {  	_ = 	snop;
	(pc) =	sbr.ind lr, $3  }
0x3a: {  	_ = 	snop  }
0x3b: {  	_ = 	snop  }
0x3c: {  	p2 =	seq.s32 s10, $0x1;
	s10 =	sld [smem:$0x3FB8]  }
0x3d: {  	_ =	shalt  }
0x3e: {  	_ =	shalt  }
0x3f: {  	_ =	shalt  }
0x40: {  	_ =	shalt  }
0x41: {  	_ =	shalt  }
0x42: {  	_ =	shalt  }
0x43: {  	_ =	shalt  }
0x44: {  	_ =	shalt  }
0x45: {  	_ =	shalt  }
0x46: {  	_ =	shalt  }
0x47: {  	_ =	shalt  }
0x48: {  	_ =	shalt  }
0x49: {  	_ =	shalt  }
0x4a: {  	_ =	shalt  }
0x4b: {  	_ =	shalt  }
0x4c: {  	_ =	shalt  }
0x4d: {  	_ =	shalt  }
0x4e: {  	_ =	shalt  }
0x4f: {  	_ =	shalt  }
0x50: {  	_ =	shalt  }
0x51: {  	_ =	shalt  }
0x52: {  	_ =	shalt  }
0x53: {  	_ =	shalt  }
0x54: {  	_ =	shalt  }
0x55: {  	_ =	shalt  }
0x56: {  	_ =	shalt  }
0x57: {  	_ =	shalt  }
0x58: {  	_ =	shalt  }
0x59: {  	_ =	shalt  }
0x5a: {  	_ =	shalt  }
0x5b: {  	_ =	shalt  }
0x5c: {  	_ =	shalt  }
0x5d: {  	_ =	shalt  }
0x5e: {  	_ =	shalt  }
0x5f: {  	_ =	shalt  }
0x60: {  	_ =	shalt  }
0x61: {  	_ =	shalt  }
0x62: {  	_ =	shalt  }
0x63: {  	_ =	shalt  }
0x64: {  	_ =	shalt  }
0x65: {  	_ =	shalt  }
0x66: {  	_ =	shalt  }
0x67: {  	_ =	shalt  }
0x68: {  	_ =	shalt  }
0x69: {  	_ =	shalt  }
0x6a: {  	_ =	shalt  }
0x6b: {  	_ =	shalt  }
0x6c: {  	_ =	shalt  }
0x6d: {  	_ =	shalt  }
0x6e: {  	_ =	shalt  }
0x6f: {  	_ =	shalt  }
0x70: {  	_ =	shalt  }
0x71: {  	_ =	shalt  }
0x72: {  	_ =	shalt  }
0x73: {  	_ =	shalt  }
0x74: {  	_ =	shalt  }
0x75: {  	_ =	shalt  }
0x76: {  	_ =	shalt  }
0x77: {  	_ =	shalt  }
0x78: {  	_ =	shalt  }
0x79: {  	_ =	shalt  }
0x7a: {  	_ =	shalt  }
0x7b: {  	_ =	shalt  }
0x7c: {  	_ =	shalt  }
0x7d: {  	_ =	shalt  }
0x7e: {  	_ =	shalt  }
0x7f: {  	_ =	shalt  }
0x80: {  	_ =	shalt  }
0x81: {  	_ =	shalt  }
0x82: {  	_ =	shalt  }
0x83: {  	_ =	shalt  }
0x84: {  	_ =	shalt  }
0x85: {  	_ =	shalt  }
0x86: {  	_ =	shalt  }
0x87: {  	_ =	shalt  }
.Lfunc_end0:
.L_simem_size_0:
called_computation_lowered:
.L_overlay_start_0:
0x88: {  	s2 =	sld [smem:$0x3FD9]  }
0x89: {  	s3 =	sld [smem:$0x3FFE];
	_ =	sdelay $0x1  }
0x8a: {  	s1 =	srdreg.scid  }
0x8b: {  	s0 =	sand.u32 $0x1, s1  }
0x8c: {  	s16 =	sshll.u32 s0, $0xA;
	s2 =	sadd.s32 s3, s2  }
0x8d: {  	s2 =	sadd.s32 s2, s16  }
0x8e: {  	[smem:$0x3FC4] =	sst s2  }
0x8f: {  	_ = 	snop  }
0x90: {  	(tm) =	ssettm $0x1  }
0x91: {  	s17 =	sld [smem:$0x3FFB];
	_ =	sdelay $0x3  }
0x92: {  	_ =	strace s17  }
0x93: {  	s2 =	sld [smem:$0x3FFC];
	_ =	sdelay $0x3  }
0x94: {  	_ =	strace s2  }
0x95: {  	s2 =	sld [smem:$0x3FFD];
	_ =	sdelay $0x3  }
0x96: {  	_ =	strace s2  }
0x97: {  	_ =	strace $0x8FFFFFFF  }
0x98: {  	s18 =	sld [smem:$0x3FDB];
	_ =	sdelay $0x1  }
0x99: {  	s19 =	simm.s32 $_scs_section_size  }
0x9a: {  	s4 =	simm.s32 $_size__tile_overlayer_lowered;
	s5 =	simm.s32 $_tile_overlayer_lowered  }
0x9b: {  	s22 =	simm.s32 $0x1BFF;
	s21 =	sshll.u32 s5, $0x1;
	s2 =	sadd.s32 s19, s18  }
0x9c: {  	s6 =	simm.s32 $0x0;
	s20 =	sshll.u32 s4, $0x1;
	s4 =	sadd.s32 s21, s2  }
0x9d: {  	[timem:s6], [sflag:s22] =	dma.local [hbm:s4], s20  }
0x9e: {  	_ =	swait.ge [sflag:s22], s20  }
0x9f: {  	s3 =	ssub.s32 $0x0, s20;
	[sflag:s22] =	ssyncset.done $0x0  }
0xa0: {  	[sflag:s22] =	ssyncadd.s32 s3;
	_ =	sdelay $0x1  }
0xa1: {  	s23 =	simm.s32 $0x1B8B  }
0xa2: {  	_ =	swait.ge [sflag:s23], $0x1  }
0xa3: {  	[sflag:s23] =	ssyncset.done $0x0  }
0xa4: {  	s25 =	simm.s32 $0x1B8E;
	s24 =	sld [smem:$0x3FFE];
	[sflag:s23] =	ssyncadd.s32 $0xFFFFFFFF  }
0xa5: {  	s26 =	simm.s32 $execute0_lowered;
	[smem:$0x3FD2] =	sst s25  }
0xa6: {  	s4 =	sshll.u32 s26, $0x1;
	_ =	strace $0x80000046;
	[dreg:$0x1] =	wrdreg $0xFFFFFFFF  }
0xa7: {  	s28 =	simm.s32 $_size_execute0_lowered;
	s2 =	sadd.s32 s2, s4;
	[dreg:$0x0] =	wrdreg $0x0  }
0xa8: {  	s4 =	sshll.u32 s28, $0x1;
	[dreg:$0x2] =	wrdreg s2  }
0xa9: {  	[dreg:$0x3] =	wrdreg s4  }
0xaa: {  	[dreg:$0x4] =	wrdreg $0xC0  }
0xab: {  	_ =	task [dreg:s6], $0x5FFFF  }
0xac: {  	[dreg:$0x1] =	wrdreg $0xFFFFFFFF  }
0xad: {  	[dreg:$0x0] =	wrdreg $0x60  }
0xae: {  	[dreg:$0x2] =	wrdreg s24  }
0xaf: {  	[dreg:$0x3] =	wrdreg $0x9  }
0xb0: {  	_ =	task.clear_ibuf [dreg:s6], $0x4FFFF;
	_ =	strace $0x90000046  }
0xb1: {  	s29 =	simm.s32 $0x9;
	_ =	strace $0x80000048  }
0xb2: {  	_ =	swait.ge [sflag:s29], $0x1  }
0xb3: {  	[sflag:s29] =	ssyncadd.s32 $0xFFFFFFFF  }
0xb4: {  	_ =	strace $0x90000048  }
0xb5: {  	_ =	sfence  }
0xb6: {  	s30 =	sld [smem:$0x0];
	_ =	sdelay $0x2  }
0xb7: {  	s31 =	sshll.u32 s1, $0xD;
	s1 =	sshrl.u32 s1, $0x2  }
0xb8: {  	s3 =	sand.u32 $0x4000, s31;
	s1 =	sadd.s32 s1, s30  }
0xb9: {  	s0 =	sor.u32 s3, s0;
	s1 =	sshll.u32 s1, $0x11  }
0xba: {  	s0 =	sor.u32 s1, s0  }
0xbb: {  	s0 =	sadd.s32 $0x8F2B, s0  }
0xbc: {  	[sflag:s0] =	ssyncadd.remote.s32 $0x1  }
0xbd: {  	_ =	sfence.sel $0xFFFF  }
0xbe: {  	[dreg:$0x0] =	wrdreg $0xFFFFFFFF;
	(pc) =	sbr.abs _section_cstart, $3  }
0xbf: {  	[dreg:$0x1] =	wrdreg $0xFFFFFFFF  }
0xc0: {  	_ =	task.clear_ibuf [dreg:s6], $0x2FFFF;
	_ =	strace $0x9FFFFFFF  }
0xc1: {  	(tm) =	ssettm $0x7FFFFFFF  }
tec
execute0_lowered:
.L_overlay_start_1:
0x0: {  	(tag) =	ssettag $0x1  }
0x1: {  	s1 =	srdreg.scid  }
0x2: {  	s0 =	stileid.u32;
	s4 =	rddreg [dreg:$0x0]  }
0x3: {  	s2 =	simm.s32 $0x0;
	s9 =	simm.s32 $0xA00;
	s10 =	simm.s32 $0x1  }
0x4: {  	s11 =	simm.s32 $0x14A00;
	s3 =	sand.u32 $0x1, s1;
	s1 =	rddreg [dreg:$0x1]  }
0x5: {  	s12 =	simm.s32 $0x0;
	s5 =	sshll.u32 s0, $0x1;
	[smem:$0x7FF] =	sst s2  }
0x6: {  	s5 =	sor.u32 s3, s5;
	_ =	strace $0x80000047;
	s7 =	ssub.s32 $0x2, s3  }
0x7: {  	s6 =	smul.u32 $0x140, s5;
	s5 =	sshll.u32 s5, $0xA;
	s8 =	sshrl.u32 s7, $0x1  }
0x8: {  	s3 =	sadd.s32 $0x4A00, s4;
	s5 =	sadd.s32 s5, s4;
	s7 =	ssub.s32 s7, s8  }
0x9: {  	s8 =	simm.s32 $0x500;
	s6 =	sadd.s32 s6, s4;
	s5 =	sadd.s32 $0xC8000, s5  }
0xa: {  	s4 =	sadd.s32 $0x2200, s6;
	s6 =	smax.u32 s7, $0x1;
	s7 =	simm.s32 $0x2  }
.LBB2_1:
0xb: {  	[tilespmem:s2], [sflag:$0x2] =	stream.linear.gather [hbm4b:s4+s2], $0xA00, $0x38;
	[tilespmem:$0x16A00] =	vst v63  }
0xc: {  	_ =	swait.ge [sflag:s7], $0xA00  }
0xd: {  	[sflag:s7] =	ssyncset.done $0x0  }
0xe: {  	[sflag:s7] =	ssyncadd.s32 $0xFFFFF600  }
0xf: {  	[tilespmem:s9], [sflag:$0x1] =	stream.indirect.gather [hbm4b:s3+s8], $0x40, s2, s8, $0xb8;
	[tilespmem:$0x16A00] =	vst v63  }
0x10: {  	_ =	swait.ge [sflag:s10], $0x14000  }
0x11: {  	[sflag:s10] =	ssyncset.done $0x0  }
0x12: {  	s13 =	simm.s32 $0xC80;
	[sflag:s10] =	ssyncadd.s32 $0xFFFEC000  }
0x13: {  	v0 =	vld [tilespmem:s13+$0xFFFFFDC0]  }
0x14: {  	v1 =	vld [tilespmem:s13+$0xFFFFFD80];
	_ =	sdelay $0x1  }
0x15: {  	v2 =	vld [tilespmem:s13+$0xFFFFFE00];
	_ =	sdelay $0x1  }
0x16: {  	v3 =	vld [tilespmem:s13+$0xFFFFFE40]  }
0x17: {  	v0 =	vadd.f32 v0, v1  }
0x18: {  	v49 =	vld [tilespmem:s13+$0xFFFFFE80]  }
0x19: {  	v0 =	vadd.f32 v2, v0  }
0x1a: {  	v50 =	vld [tilespmem:s13+$0xFFFFFEC0]  }
0x1b: {  	v0 =	vadd.f32 v3, v0  }
0x1c: {  	v51 =	vld [tilespmem:s13+$0xFFFFFF00]  }
0x1d: {  	v0 =	vadd.f32 v49, v0  }
0x1e: {  	v52 =	vld [tilespmem:s13+$0xFFFFFF40]  }
0x1f: {  	v0 =	vadd.f32 v50, v0  }
0x20: {  	v53 =	vld [tilespmem:s13+$0xFFFFFF80]  }
0x21: {  	v0 =	vadd.f32 v51, v0  }
0x22: {  	v54 =	vld [tilespmem:s13+$0xFFFFFFC0]  }
0x23: {  	v0 =	vadd.f32 v52, v0  }
0x24: {  	v55 =	vld [tilespmem:s13+$0x0]  }
0x25: {  	v0 =	vadd.f32 v53, v0  }
0x26: {  	v56 =	vld [tilespmem:s13+$0x40]  }
0x27: {  	v0 =	vadd.f32 v54, v0  }
0x28: {  	v57 =	vld [tilespmem:s13+$0x80]  }
0x29: {  	v0 =	vadd.f32 v55, v0  }
0x2a: {  	v58 =	vld [tilespmem:s13+$0xC0]  }
0x2b: {  	v0 =	vadd.f32 v56, v0  }
0x2c: {  	v59 =	vld [tilespmem:s13+$0x100]  }
0x2d: {  	v0 =	vadd.f32 v57, v0  }
0x2e: {  	v60 =	vld [tilespmem:s13+$0x140]  }
0x2f: {  	v0 =	vadd.f32 v58, v0  }
0x30: {  	v61 =	vld [tilespmem:s13+$0x180]  }
0x31: {  	v0 =	vadd.f32 v59, v0  }
0x32: {  	v62 =	vld [tilespmem:s13+$0x1C0]  }
0x33: {  	v0 =	vadd.f32 v60, v0  }
0x34: {  	v63 =	vld [tilespmem:s13+$0x200]  }
0x35: {  	v0 =	vadd.f32 v61, v0  }
0x36: {  	v6 =	vld [tilespmem:s13+$0x240]  }
0x37: {  	v0 =	vadd.f32 v62, v0;
	_ =	sdelay $0x1  }
0x38: {  	v0 =	vadd.f32 v63, v0;
	_ =	sdelay $0x1  }
0x39: {  	v0 =	vadd.f32 v6, v0;
	_ =	sdelay $0x1  }
0x3a: {  	v0 =	vsub.f32 $0.0e+00, v0;
	_ =	sdelay $0x1  }
0x3b: {  	v0 =	vmul.f32 $1.442695020e+00, v0;
	_ =	sdelay $0x1  }
0x3c: {  	(erf) = vpow2.f32 v0;
	_ =	sdelay $0x8  }
0x3d: {  	v0 =	vpop (erf)  }
0x3e: {  	v0 =	vadd.f32 $1.000000000e+00, v0;
	_ =	sdelay $0x1  }
0x3f: {  	(erf) = vrcp.f32 v0;
	_ =	sdelay $0x8  }
0x40: {  	s14 =	simm.s32 $0x0;
	v0 =	vpop (erf)  }
0x41: {  	[tilespmem:s14+$0x14A00] =	vst v0  }
0x42: {  	v0 =	vld [tilespmem:s13+$0xFFFFFD90]  }
0x43: {  	v7 =	vld [tilespmem:s13+$0xFFFFFDD0];
	_ =	sdelay $0x1  }
0x44: {  	v8 =	vld [tilespmem:s13+$0xFFFFFE10];
	_ =	sdelay $0x1  }
0x45: {  	v9 =	vld [tilespmem:s13+$0xFFFFFE50]  }
0x46: {  	v0 =	vadd.f32 v7, v0  }
0x47: {  	v10 =	vld [tilespmem:s13+$0xFFFFFE90]  }
0x48: {  	v0 =	vadd.f32 v8, v0  }
0x49: {  	v11 =	vld [tilespmem:s13+$0xFFFFFED0]  }
0x4a: {  	v0 =	vadd.f32 v9, v0  }
0x4b: {  	v12 =	vld [tilespmem:s13+$0xFFFFFF10]  }
0x4c: {  	v0 =	vadd.f32 v10, v0  }
0x4d: {  	v13 =	vld [tilespmem:s13+$0xFFFFFF50]  }
0x4e: {  	v0 =	vadd.f32 v11, v0  }
0x4f: {  	v14 =	vld [tilespmem:s13+$0xFFFFFF90]  }
0x50: {  	v0 =	vadd.f32 v12, v0  }
0x51: {  	v15 =	vld [tilespmem:s13+$0xFFFFFFD0]  }
0x52: {  	v0 =	vadd.f32 v13, v0  }
0x53: {  	v16 =	vld [tilespmem:s13+$0x10]  }
0x54: {  	v0 =	vadd.f32 v14, v0  }
0x55: {  	v17 =	vld [tilespmem:s13+$0x50]  }
0x56: {  	v0 =	vadd.f32 v15, v0  }
0x57: {  	v18 =	vld [tilespmem:s13+$0x90]  }
0x58: {  	v0 =	vadd.f32 v16, v0  }
0x59: {  	v19 =	vld [tilespmem:s13+$0xD0]  }
0x5a: {  	v0 =	vadd.f32 v17, v0  }
0x5b: {  	v20 =	vld [tilespmem:s13+$0x110]  }
0x5c: {  	v0 =	vadd.f32 v18, v0  }
0x5d: {  	v21 =	vld [tilespmem:s13+$0x150]  }
0x5e: {  	v0 =	vadd.f32 v19, v0  }
0x5f: {  	v22 =	vld [tilespmem:s13+$0x190]  }
0x60: {  	v0 =	vadd.f32 v20, v0  }
0x61: {  	v23 =	vld [tilespmem:s13+$0x1D0]  }
0x62: {  	v0 =	vadd.f32 v21, v0  }
0x63: {  	v24 =	vld [tilespmem:s13+$0x210]  }
0x64: {  	v0 =	vadd.f32 v22, v0  }
0x65: {  	v25 =	vld [tilespmem:s13+$0x250]  }
0x66: {  	v0 =	vadd.f32 v23, v0;
	_ =	sdelay $0x1  }
0x67: {  	v0 =	vadd.f32 v24, v0;
	_ =	sdelay $0x1  }
0x68: {  	v0 =	vadd.f32 v25, v0;
	_ =	sdelay $0x1  }
0x69: {  	v0 =	vsub.f32 $0.0e+00, v0;
	_ =	sdelay $0x1  }
0x6a: {  	v0 =	vmul.f32 $1.442695020e+00, v0;
	_ =	sdelay $0x1  }
0x6b: {  	(erf) = vpow2.f32 v0;
	_ =	sdelay $0x8  }
0x6c: {  	v0 =	vpop (erf)  }
0x6d: {  	v0 =	vadd.f32 $1.000000000e+00, v0;
	_ =	sdelay $0x1  }
0x6e: {  	(erf) = vrcp.f32 v0;
	_ =	sdelay $0x8  }
0x6f: {  	v0 =	vpop (erf)  }
0x70: {  	[tilespmem:s14+$0x14A10] =	vst v0  }
0x71: {  	v0 =	vld [tilespmem:s13+$0xFFFFFDA0]  }
0x72: {  	v26 =	vld [tilespmem:s13+$0xFFFFFDE0];
	_ =	sdelay $0x1  }
0x73: {  	v27 =	vld [tilespmem:s13+$0xFFFFFE20];
	_ =	sdelay $0x1  }
0x74: {  	v28 =	vld [tilespmem:s13+$0xFFFFFE60]  }
0x75: {  	v0 =	vadd.f32 v26, v0  }
0x76: {  	v29 =	vld [tilespmem:s13+$0xFFFFFEA0]  }
0x77: {  	v0 =	vadd.f32 v27, v0  }
0x78: {  	v30 =	vld [tilespmem:s13+$0xFFFFFEE0]  }
0x79: {  	v0 =	vadd.f32 v28, v0  }
0x7a: {  	v31 =	vld [tilespmem:s13+$0xFFFFFF20]  }
0x7b: {  	v0 =	vadd.f32 v29, v0  }
0x7c: {  	v32 =	vld [tilespmem:s13+$0xFFFFFF60]  }
0x7d: {  	v0 =	vadd.f32 v30, v0  }
0x7e: {  	v33 =	vld [tilespmem:s13+$0xFFFFFFA0]  }
0x7f: {  	v0 =	vadd.f32 v31, v0  }
0x80: {  	v34 =	vld [tilespmem:s13+$0xFFFFFFE0]  }
0x81: {  	v0 =	vadd.f32 v32, v0  }
0x82: {  	v35 =	vld [tilespmem:s13+$0x20]  }
0x83: {  	v0 =	vadd.f32 v33, v0  }
0x84: {  	v36 =	vld [tilespmem:s13+$0x60]  }
0x85: {  	v0 =	vadd.f32 v34, v0  }
0x86: {  	v37 =	vld [tilespmem:s13+$0xA0]  }
0x87: {  	v0 =	vadd.f32 v35, v0  }
0x88: {  	v38 =	vld [tilespmem:s13+$0xE0]  }
0x89: {  	v0 =	vadd.f32 v36, v0  }
0x8a: {  	v39 =	vld [tilespmem:s13+$0x120]  }
0x8b: {  	v0 =	vadd.f32 v37, v0  }
0x8c: {  	v40 =	vld [tilespmem:s13+$0x160]  }
0x8d: {  	v0 =	vadd.f32 v38, v0  }
0x8e: {  	v41 =	vld [tilespmem:s13+$0x1A0]  }
0x8f: {  	v0 =	vadd.f32 v39, v0  }
0x90: {  	v42 =	vld [tilespmem:s13+$0x1E0]  }
0x91: {  	v0 =	vadd.f32 v40, v0  }
0x92: {  	v43 =	vld [tilespmem:s13+$0x220]  }
0x93: {  	v0 =	vadd.f32 v41, v0  }
0x94: {  	v44 =	vld [tilespmem:s13+$0x260]  }
0x95: {  	v0 =	vadd.f32 v42, v0;
	_ =	sdelay $0x1  }
0x96: {  	v0 =	vadd.f32 v43, v0;
	_ =	sdelay $0x1  }
0x97: {  	v0 =	vadd.f32 v44, v0;
	_ =	sdelay $0x1  }
0x98: {  	v0 =	vsub.f32 $0.0e+00, v0;
	_ =	sdelay $0x1  }
0x99: {  	v0 =	vmul.f32 $1.442695020e+00, v0;
	_ =	sdelay $0x1  }
0x9a: {  	(erf) = vpow2.f32 v0;
	_ =	sdelay $0x8  }
0x9b: {  	v0 =	vpop (erf)  }
0x9c: {  	v0 =	vadd.f32 $1.000000000e+00, v0;
	_ =	sdelay $0x1  }
0x9d: {  	(erf) = vrcp.f32 v0;
	_ =	sdelay $0x8  }
0x9e: {  	v0 =	vpop (erf)  }
0x9f: {  	[tilespmem:s14+$0x14A20] =	vst v0  }
0xa0: {  	v0 =	vld [tilespmem:s13+$0xFFFFFDB0]  }
0xa1: {  	v45 =	vld [tilespmem:s13+$0xFFFFFDF0];
	_ =	sdelay $0x1  }
0xa2: {  	v46 =	vld [tilespmem:s13+$0xFFFFFE30];
	_ =	sdelay $0x1  }
0xa3: {  	v47 =	vld [tilespmem:s13+$0xFFFFFE70]  }
0xa4: {  	v0 =	vadd.f32 v45, v0  }
0xa5: {  	v48 =	vld [tilespmem:s13+$0xFFFFFEB0]  }
0xa6: {  	v0 =	vadd.f32 v46, v0  }
0xa7: {  	v49 =	vld [tilespmem:s13+$0xFFFFFEF0]  }
0xa8: {  	v0 =	vadd.f32 v47, v0  }
0xa9: {  	v50 =	vld [tilespmem:s13+$0xFFFFFF30]  }
0xaa: {  	v0 =	vadd.f32 v48, v0  }
0xab: {  	v51 =	vld [tilespmem:s13+$0xFFFFFF70]  }
0xac: {  	v0 =	vadd.f32 v49, v0  }
0xad: {  	v52 =	vld [tilespmem:s13+$0xFFFFFFB0]  }
0xae: {  	v0 =	vadd.f32 v50, v0  }
0xaf: {  	v53 =	vld [tilespmem:s13+$0xFFFFFFF0]  }
0xb0: {  	v0 =	vadd.f32 v51, v0  }
0xb1: {  	v54 =	vld [tilespmem:s13+$0x30]  }
0xb2: {  	v0 =	vadd.f32 v52, v0  }
0xb3: {  	v55 =	vld [tilespmem:s13+$0x70]  }
0xb4: {  	v0 =	vadd.f32 v53, v0  }
0xb5: {  	v56 =	vld [tilespmem:s13+$0xB0]  }
0xb6: {  	v0 =	vadd.f32 v54, v0  }
0xb7: {  	v57 =	vld [tilespmem:s13+$0xF0]  }
0xb8: {  	v0 =	vadd.f32 v55, v0  }
0xb9: {  	v58 =	vld [tilespmem:s13+$0x130]  }
0xba: {  	v0 =	vadd.f32 v56, v0  }
0xbb: {  	v59 =	vld [tilespmem:s13+$0x170]  }
0xbc: {  	v0 =	vadd.f32 v57, v0  }
0xbd: {  	v60 =	vld [tilespmem:s13+$0x1B0]  }
0xbe: {  	v0 =	vadd.f32 v58, v0  }
0xbf: {  	v61 =	vld [tilespmem:s13+$0x1F0]  }
0xc0: {  	v0 =	vadd.f32 v59, v0  }
0xc1: {  	v62 =	vld [tilespmem:s13+$0x230]  }
0xc2: {  	v0 =	vadd.f32 v60, v0  }
0xc3: {  	v63 =	vld [tilespmem:s13+$0x270]  }
0xc4: {  	v0 =	vadd.f32 v61, v0;
	_ =	sdelay $0x1  }
0xc5: {  	v0 =	vadd.f32 v62, v0;
	_ =	sdelay $0x1  }
0xc6: {  	v0 =	vadd.f32 v63, v0;
	_ =	sdelay $0x1  }
0xc7: {  	v0 =	vsub.f32 $0.0e+00, v0;
	_ =	sdelay $0x1  }
0xc8: {  	v0 =	vmul.f32 $1.442695020e+00, v0;
	_ =	sdelay $0x1  }
0xc9: {  	(erf) = vpow2.f32 v0;
	_ =	sdelay $0x8  }
0xca: {  	v0 =	vpop (erf)  }
0xcb: {  	v0 =	vadd.f32 $1.000000000e+00, v0;
	_ =	sdelay $0x1  }
0xcc: {  	s15 =	simm.s32 $0x100;
	(erf) = vrcp.f32 v0  }
.LBB2_2:
0xcd: {  	_ =	sdelay $0x3  }
0xce: {  	p0 =	sne.s32 s15, $0x3F00  }
0xcf: {  	s13 =	sadd.s32 $0x500, s13;
	s16 =	smov.u32 s15;
	s15 =	sadd.s32 $0x100, s15  }
0xd0: {  	_ =	sdelay $0x1  }
0xd1: {  	v0 =	vpop (erf)  }
0xd2: {  	[tilespmem:s14+$0x14A30] =	vst v0  }
0xd3: {  	v0 =	vld [tilespmem:s13+$0xFFFFFDC0]  }
0xd4: {  	v1 =	vld [tilespmem:s13+$0xFFFFFD80];
	_ =	sdelay $0x1  }
0xd5: {  	v2 =	vld [tilespmem:s13+$0xFFFFFE00];
	_ =	sdelay $0x1  }
0xd6: {  	v3 =	vld [tilespmem:s13+$0xFFFFFE40]  }
0xd7: {  	v0 =	vadd.f32 v0, v1  }
0xd8: {  	v1 =	vld [tilespmem:s13+$0xFFFFFE80]  }
0xd9: {  	v0 =	vadd.f32 v2, v0  }
0xda: {  	v2 =	vld [tilespmem:s13+$0xFFFFFEC0]  }
0xdb: {  	v0 =	vadd.f32 v3, v0  }
0xdc: {  	v3 =	vld [tilespmem:s13+$0xFFFFFF00]  }
0xdd: {  	v0 =	vadd.f32 v1, v0  }
0xde: {  	v1 =	vld [tilespmem:s13+$0xFFFFFF40]  }
0xdf: {  	v0 =	vadd.f32 v2, v0  }
0xe0: {  	v2 =	vld [tilespmem:s13+$0xFFFFFF80]  }
0xe1: {  	v0 =	vadd.f32 v3, v0  }
0xe2: {  	v3 =	vld [tilespmem:s13+$0xFFFFFFC0]  }
0xe3: {  	v0 =	vadd.f32 v1, v0  }
0xe4: {  	v1 =	vld [tilespmem:s13+$0x0]  }
0xe5: {  	v0 =	vadd.f32 v2, v0  }
0xe6: {  	v2 =	vld [tilespmem:s13+$0x40]  }
0xe7: {  	v0 =	vadd.f32 v3, v0  }
0xe8: {  	v3 =	vld [tilespmem:s13+$0x80]  }
0xe9: {  	v0 =	vadd.f32 v1, v0  }
0xea: {  	v1 =	vld [tilespmem:s13+$0xC0]  }
0xeb: {  	v0 =	vadd.f32 v2, v0  }
0xec: {  	v2 =	vld [tilespmem:s13+$0x100]  }
0xed: {  	v0 =	vadd.f32 v3, v0  }
0xee: {  	v3 =	vld [tilespmem:s13+$0x140]  }
0xef: {  	v0 =	vadd.f32 v1, v0  }
0xf0: {  	v1 =	vld [tilespmem:s13+$0x180]  }
0xf1: {  	v0 =	vadd.f32 v2, v0  }
0xf2: {  	v2 =	vld [tilespmem:s13+$0x1C0]  }
0xf3: {  	v0 =	vadd.f32 v3, v0  }
0xf4: {  	v3 =	vld [tilespmem:s13+$0x200]  }
0xf5: {  	v0 =	vadd.f32 v1, v0  }
0xf6: {  	v1 =	vld [tilespmem:s13+$0x240]  }
0xf7: {  	v0 =	vadd.f32 v2, v0;
	_ =	sdelay $0x1  }
0xf8: {  	v0 =	vadd.f32 v3, v0;
	_ =	sdelay $0x1  }
0xf9: {  	v0 =	vadd.f32 v1, v0;
	_ =	sdelay $0x1  }
0xfa: {  	v0 =	vsub.f32 $0.0e+00, v0;
	_ =	sdelay $0x1  }
0xfb: {  	v0 =	vmul.f32 $1.442695020e+00, v0;
	_ =	sdelay $0x1  }
0xfc: {  	(erf) = vpow2.f32 v0;
	_ =	sdelay $0x8  }
0xfd: {  	v0 =	vpop (erf)  }
0xfe: {  	v0 =	vadd.f32 $1.000000000e+00, v0;
	_ =	sdelay $0x1  }
0xff: {  	(erf) = vrcp.f32 v0;
	_ =	sdelay $0x8  }
0x100: {  	s14 =	sshra.s32 s16, $0x2;
	v0 =	vpop (erf)  }
0x101: {  	[tilespmem:s14+$0x14A00] =	vst v0  }
0x102: {  	v0 =	vld [tilespmem:s13+$0xFFFFFD90]  }
0x103: {  	v1 =	vld [tilespmem:s13+$0xFFFFFDD0];
	_ =	sdelay $0x1  }
0x104: {  	v2 =	vld [tilespmem:s13+$0xFFFFFE10];
	_ =	sdelay $0x1  }
0x105: {  	v3 =	vld [tilespmem:s13+$0xFFFFFE50]  }
0x106: {  	v0 =	vadd.f32 v1, v0  }
0x107: {  	v1 =	vld [tilespmem:s13+$0xFFFFFE90]  }
0x108: {  	v0 =	vadd.f32 v2, v0  }
0x109: {  	v2 =	vld [tilespmem:s13+$0xFFFFFED0]  }
0x10a: {  	v0 =	vadd.f32 v3, v0  }
0x10b: {  	v3 =	vld [tilespmem:s13+$0xFFFFFF10]  }
0x10c: {  	v0 =	vadd.f32 v1, v0  }
0x10d: {  	v1 =	vld [tilespmem:s13+$0xFFFFFF50]  }
0x10e: {  	v0 =	vadd.f32 v2, v0  }
0x10f: {  	v2 =	vld [tilespmem:s13+$0xFFFFFF90]  }
0x110: {  	v0 =	vadd.f32 v3, v0  }
0x111: {  	v3 =	vld [tilespmem:s13+$0xFFFFFFD0]  }
0x112: {  	v0 =	vadd.f32 v1, v0  }
0x113: {  	v1 =	vld [tilespmem:s13+$0x10]  }
0x114: {  	v0 =	vadd.f32 v2, v0  }
0x115: {  	v2 =	vld [tilespmem:s13+$0x50]  }
0x116: {  	v0 =	vadd.f32 v3, v0  }
0x117: {  	v3 =	vld [tilespmem:s13+$0x90]  }
0x118: {  	v0 =	vadd.f32 v1, v0  }
0x119: {  	v1 =	vld [tilespmem:s13+$0xD0]  }
0x11a: {  	v0 =	vadd.f32 v2, v0  }
0x11b: {  	v2 =	vld [tilespmem:s13+$0x110]  }
0x11c: {  	v0 =	vadd.f32 v3, v0  }
0x11d: {  	v3 =	vld [tilespmem:s13+$0x150]  }
0x11e: {  	v0 =	vadd.f32 v1, v0  }
0x11f: {  	v1 =	vld [tilespmem:s13+$0x190]  }
0x120: {  	v0 =	vadd.f32 v2, v0  }
0x121: {  	v2 =	vld [tilespmem:s13+$0x1D0]  }
0x122: {  	v0 =	vadd.f32 v3, v0  }
0x123: {  	v3 =	vld [tilespmem:s13+$0x210]  }
0x124: {  	v0 =	vadd.f32 v1, v0  }
0x125: {  	v1 =	vld [tilespmem:s13+$0x250]  }
0x126: {  	v0 =	vadd.f32 v2, v0;
	_ =	sdelay $0x1  }
0x127: {  	v0 =	vadd.f32 v3, v0;
	_ =	sdelay $0x1  }
0x128: {  	v0 =	vadd.f32 v1, v0;
	_ =	sdelay $0x1  }
0x129: {  	v0 =	vsub.f32 $0.0e+00, v0;
	_ =	sdelay $0x1  }
0x12a: {  	v0 =	vmul.f32 $1.442695020e+00, v0;
	_ =	sdelay $0x1  }
0x12b: {  	(erf) = vpow2.f32 v0;
	_ =	sdelay $0x8  }
0x12c: {  	v0 =	vpop (erf)  }
0x12d: {  	v0 =	vadd.f32 $1.000000000e+00, v0;
	_ =	sdelay $0x1  }
0x12e: {  	(erf) = vrcp.f32 v0;
	_ =	sdelay $0x8  }
0x12f: {  	v0 =	vpop (erf)  }
0x130: {  	[tilespmem:s14+$0x14A10] =	vst v0  }
0x131: {  	v0 =	vld [tilespmem:s13+$0xFFFFFDA0]  }
0x132: {  	v1 =	vld [tilespmem:s13+$0xFFFFFDE0];
	_ =	sdelay $0x1  }
0x133: {  	v2 =	vld [tilespmem:s13+$0xFFFFFE20];
	_ =	sdelay $0x1  }
0x134: {  	v3 =	vld [tilespmem:s13+$0xFFFFFE60]  }
0x135: {  	v0 =	vadd.f32 v1, v0  }
0x136: {  	v1 =	vld [tilespmem:s13+$0xFFFFFEA0]  }
0x137: {  	v0 =	vadd.f32 v2, v0  }
0x138: {  	v2 =	vld [tilespmem:s13+$0xFFFFFEE0]  }
0x139: {  	v0 =	vadd.f32 v3, v0  }
0x13a: {  	v3 =	vld [tilespmem:s13+$0xFFFFFF20]  }
0x13b: {  	v0 =	vadd.f32 v1, v0  }
0x13c: {  	v1 =	vld [tilespmem:s13+$0xFFFFFF60]  }
0x13d: {  	v0 =	vadd.f32 v2, v0  }
0x13e: {  	v2 =	vld [tilespmem:s13+$0xFFFFFFA0]  }
0x13f: {  	v0 =	vadd.f32 v3, v0  }
0x140: {  	v3 =	vld [tilespmem:s13+$0xFFFFFFE0]  }
0x141: {  	v0 =	vadd.f32 v1, v0  }
0x142: {  	v1 =	vld [tilespmem:s13+$0x20]  }
0x143: {  	v0 =	vadd.f32 v2, v0  }
0x144: {  	v2 =	vld [tilespmem:s13+$0x60]  }
0x145: {  	v0 =	vadd.f32 v3, v0  }
0x146: {  	v3 =	vld [tilespmem:s13+$0xA0]  }
0x147: {  	v0 =	vadd.f32 v1, v0  }
0x148: {  	v1 =	vld [tilespmem:s13+$0xE0]  }
0x149: {  	v0 =	vadd.f32 v2, v0  }
0x14a: {  	v2 =	vld [tilespmem:s13+$0x120]  }
0x14b: {  	v0 =	vadd.f32 v3, v0  }
0x14c: {  	v3 =	vld [tilespmem:s13+$0x160]  }
0x14d: {  	v0 =	vadd.f32 v1, v0  }
0x14e: {  	v1 =	vld [tilespmem:s13+$0x1A0]  }
0x14f: {  	v0 =	vadd.f32 v2, v0  }
0x150: {  	v2 =	vld [tilespmem:s13+$0x1E0]  }
0x151: {  	v0 =	vadd.f32 v3, v0  }
0x152: {  	v3 =	vld [tilespmem:s13+$0x220]  }
0x153: {  	v0 =	vadd.f32 v1, v0  }
0x154: {  	v1 =	vld [tilespmem:s13+$0x260]  }
0x155: {  	v0 =	vadd.f32 v2, v0;
	_ =	sdelay $0x1  }
0x156: {  	v0 =	vadd.f32 v3, v0;
	_ =	sdelay $0x1  }
0x157: {  	v0 =	vadd.f32 v1, v0;
	_ =	sdelay $0x1  }
0x158: {  	v0 =	vsub.f32 $0.0e+00, v0;
	_ =	sdelay $0x1  }
0x159: {  	v0 =	vmul.f32 $1.442695020e+00, v0;
	_ =	sdelay $0x1  }
0x15a: {  	(erf) = vpow2.f32 v0;
	_ =	sdelay $0x8  }
0x15b: {  	v0 =	vpop (erf)  }
0x15c: {  	v0 =	vadd.f32 $1.000000000e+00, v0;
	_ =	sdelay $0x1  }
0x15d: {  	(erf) = vrcp.f32 v0;
	_ =	sdelay $0x8  }
0x15e: {  	v0 =	vpop (erf)  }
0x15f: {  	[tilespmem:s14+$0x14A20] =	vst v0  }
0x160: {  	v0 =	vld [tilespmem:s13+$0xFFFFFDB0]  }
0x161: {  	v1 =	vld [tilespmem:s13+$0xFFFFFDF0]  }
0x162: {  	v2 =	vld [tilespmem:s13+$0xFFFFFE30]  }
0x163: {  	v3 =	vld [tilespmem:s13+$0xFFFFFE70]  }
0x164: {  	v4 =	vld [tilespmem:s13+$0xFFFFFEB0]  }
0x165: {  	v5 =	vld [tilespmem:s13+$0xFFFFFEF0]  }
0x166: {  	v0 =	vadd.f32 v1, v0;
	v1 =	vld [tilespmem:s13+$0xFFFFFF30]  }
0x167: {  	v6 =	vld [tilespmem:s13+$0xFFFFFF70]  }
0x168: {  	v0 =	vadd.f32 v2, v0;
	v2 =	vld [tilespmem:s13+$0xFFFFFFB0]  }
0x169: {  	v7 =	vld [tilespmem:s13+$0xFFFFFFF0]  }
0x16a: {  	v0 =	vadd.f32 v3, v0;
	v3 =	vld [tilespmem:s13+$0x30]  }
0x16b: {  	v8 =	vld [tilespmem:s13+$0x70]  }
0x16c: {  	v0 =	vadd.f32 v4, v0;
	v4 =	vld [tilespmem:s13+$0xB0]  }
0x16d: {  	v9 =	vld [tilespmem:s13+$0xF0]  }
0x16e: {  	v0 =	vadd.f32 v5, v0;
	v5 =	vld [tilespmem:s13+$0x130]  }
0x16f: {  	v10 =	vld [tilespmem:s13+$0x170]  }
0x170: {  	v0 =	vadd.f32 v1, v0;
	v1 =	vld [tilespmem:s13+$0x1B0]  }
0x171: {  	v11 =	vld [tilespmem:s13+$0x1F0]  }
0x172: {  	v0 =	vadd.f32 v6, v0;
	v6 =	vld [tilespmem:s13+$0x230]  }
0x173: {  	v12 =	vld [tilespmem:s13+$0x270]  }
0x174: {  	v0 =	vadd.f32 v2, v0;
	_ =	sdelay $0x1  }
0x175: {  	v0 =	vadd.f32 v7, v0;
	_ =	sdelay $0x1  }
0x176: {  	v0 =	vadd.f32 v3, v0;
	_ =	sdelay $0x1  }
0x177: {  	v0 =	vadd.f32 v8, v0;
	_ =	sdelay $0x1  }
0x178: {  	v0 =	vadd.f32 v4, v0;
	_ =	sdelay $0x1  }
0x179: {  	v0 =	vadd.f32 v9, v0;
	_ =	sdelay $0x1  }
0x17a: {  	v0 =	vadd.f32 v5, v0;
	_ =	sdelay $0x1  }
0x17b: {  	v0 =	vadd.f32 v10, v0;
	_ =	sdelay $0x1  }
0x17c: {  	v0 =	vadd.f32 v1, v0;
	_ =	sdelay $0x1  }
0x17d: {  	v0 =	vadd.f32 v11, v0;
	_ =	sdelay $0x1  }
0x17e: {  	v0 =	vadd.f32 v6, v0;
	_ =	sdelay $0x1  }
0x17f: {  	v0 =	vadd.f32 v12, v0;
	_ =	sdelay $0x1  }
0x180: {  	v0 =	vsub.f32 $0.0e+00, v0;
	_ =	sdelay $0x1  }
0x181: {  	v0 =	vmul.f32 $1.442695020e+00, v0;
	_ =	sdelay $0x1  }
0x182: {  	(erf) = vpow2.f32 v0;
	_ =	sdelay $0x7  }
.Ltmp0:
0x183: {  	(pc) =	sbr.rel @p0 .LBB2_2-.Ltmp0, $3  }
0x184: {  	v0 =	vpop (erf)  }
0x185: {  	v0 =	vadd.f32 $1.000000000e+00, v0;
	_ =	sdelay $0x1  }
0x186: {  	(erf) = vrcp.f32 v0  }
0x187: {  	_ =	sdelay $0x7  }
0x188: {  	v0 =	vpop (erf)  }
0x189: {  	[tilespmem:s14+$0x14A30] =	vst v0  }
0x18a: {  	[tilespmem:s9], [sflag:$0x1] =	stream.indirect.gather [hbm4b:s3+s8], $0x40, s8, s8, $0xb8;
	[tilespmem:$0x16A00] =	vst v63  }
0x18b: {  	_ =	swait.ge [sflag:s10], $0x14000  }
0x18c: {  	[sflag:s10] =	ssyncset.done $0x0  }
0x18d: {  	s13 =	simm.s32 $0xC80;
	[sflag:s10] =	ssyncadd.s32 $0xFFFEC000  }
0x18e: {  	v48 =	vld [tilespmem:s13+$0xFFFFFDC0]  }
0x18f: {  	v1 =	vld [tilespmem:s13+$0xFFFFFD80];
	_ =	sdelay $0x1  }
0x190: {  	v2 =	vld [tilespmem:s13+$0xFFFFFE00];
	_ =	sdelay $0x1  }
0x191: {  	v3 =	vld [tilespmem:s13+$0xFFFFFE40]  }
0x192: {  	v0 =	vadd.f32 v48, v1  }
0x193: {  	v49 =	vld [tilespmem:s13+$0xFFFFFE80]  }
0x194: {  	v0 =	vadd.f32 v2, v0  }
0x195: {  	v50 =	vld [tilespmem:s13+$0xFFFFFEC0]  }
0x196: {  	v0 =	vadd.f32 v3, v0  }
0x197: {  	v51 =	vld [tilespmem:s13+$0xFFFFFF00]  }
0x198: {  	v0 =	vadd.f32 v49, v0  }
0x199: {  	v52 =	vld [tilespmem:s13+$0xFFFFFF40]  }
0x19a: {  	v0 =	vadd.f32 v50, v0  }
0x19b: {  	v53 =	vld [tilespmem:s13+$0xFFFFFF80]  }
0x19c: {  	v0 =	vadd.f32 v51, v0  }
0x19d: {  	v54 =	vld [tilespmem:s13+$0xFFFFFFC0]  }
0x19e: {  	v0 =	vadd.f32 v52, v0  }
0x19f: {  	v55 =	vld [tilespmem:s13+$0x0]  }
0x1a0: {  	v0 =	vadd.f32 v53, v0  }
0x1a1: {  	v56 =	vld [tilespmem:s13+$0x40]  }
0x1a2: {  	v0 =	vadd.f32 v54, v0  }
0x1a3: {  	v57 =	vld [tilespmem:s13+$0x80]  }
0x1a4: {  	v0 =	vadd.f32 v55, v0  }
0x1a5: {  	v58 =	vld [tilespmem:s13+$0xC0]  }
0x1a6: {  	v0 =	vadd.f32 v56, v0  }
0x1a7: {  	v59 =	vld [tilespmem:s13+$0x100]  }
0x1a8: {  	v0 =	vadd.f32 v57, v0  }
0x1a9: {  	v60 =	vld [tilespmem:s13+$0x140]  }
0x1aa: {  	v0 =	vadd.f32 v58, v0  }
0x1ab: {  	v61 =	vld [tilespmem:s13+$0x180]  }
0x1ac: {  	v0 =	vadd.f32 v59, v0  }
0x1ad: {  	v62 =	vld [tilespmem:s13+$0x1C0]  }
0x1ae: {  	v0 =	vadd.f32 v60, v0  }
0x1af: {  	v63 =	vld [tilespmem:s13+$0x200]  }
0x1b0: {  	v0 =	vadd.f32 v61, v0  }
0x1b1: {  	v6 =	vld [tilespmem:s13+$0x240]  }
0x1b2: {  	v0 =	vadd.f32 v62, v0;
	_ =	sdelay $0x1  }
0x1b3: {  	v0 =	vadd.f32 v63, v0;
	_ =	sdelay $0x1  }
0x1b4: {  	v0 =	vadd.f32 v6, v0;
	_ =	sdelay $0x1  }
0x1b5: {  	v0 =	vsub.f32 $0.0e+00, v0;
	_ =	sdelay $0x1  }
0x1b6: {  	v0 =	vmul.f32 $1.442695020e+00, v0;
	_ =	sdelay $0x1  }
0x1b7: {  	(erf) = vpow2.f32 v0;
	_ =	sdelay $0x8  }
0x1b8: {  	v0 =	vpop (erf)  }
0x1b9: {  	v0 =	vadd.f32 $1.000000000e+00, v0;
	_ =	sdelay $0x1  }
0x1ba: {  	(erf) = vrcp.f32 v0;
	_ =	sdelay $0x8  }
0x1bb: {  	s14 =	simm.s32 $0x0;
	v0 =	vpop (erf)  }
0x1bc: {  	[tilespmem:s14+$0x15A00] =	vst v0  }
0x1bd: {  	v0 =	vld [tilespmem:s13+$0xFFFFFD90]  }
0x1be: {  	v7 =	vld [tilespmem:s13+$0xFFFFFDD0];
	_ =	sdelay $0x1  }
0x1bf: {  	v8 =	vld [tilespmem:s13+$0xFFFFFE10];
	_ =	sdelay $0x1  }
0x1c0: {  	v9 =	vld [tilespmem:s13+$0xFFFFFE50]  }
0x1c1: {  	v0 =	vadd.f32 v7, v0  }
0x1c2: {  	v10 =	vld [tilespmem:s13+$0xFFFFFE90]  }
0x1c3: {  	v0 =	vadd.f32 v8, v0  }
0x1c4: {  	v11 =	vld [tilespmem:s13+$0xFFFFFED0]  }
0x1c5: {  	v0 =	vadd.f32 v9, v0  }
0x1c6: {  	v12 =	vld [tilespmem:s13+$0xFFFFFF10]  }
0x1c7: {  	v0 =	vadd.f32 v10, v0  }
0x1c8: {  	v13 =	vld [tilespmem:s13+$0xFFFFFF50]  }
0x1c9: {  	v0 =	vadd.f32 v11, v0  }
0x1ca: {  	v14 =	vld [tilespmem:s13+$0xFFFFFF90]  }
0x1cb: {  	v0 =	vadd.f32 v12, v0  }
0x1cc: {  	v15 =	vld [tilespmem:s13+$0xFFFFFFD0]  }
0x1cd: {  	v0 =	vadd.f32 v13, v0  }
0x1ce: {  	v16 =	vld [tilespmem:s13+$0x10]  }
0x1cf: {  	v0 =	vadd.f32 v14, v0  }
0x1d0: {  	v17 =	vld [tilespmem:s13+$0x50]  }
0x1d1: {  	v0 =	vadd.f32 v15, v0  }
0x1d2: {  	v18 =	vld [tilespmem:s13+$0x90]  }
0x1d3: {  	v0 =	vadd.f32 v16, v0  }
0x1d4: {  	v19 =	vld [tilespmem:s13+$0xD0]  }
0x1d5: {  	v0 =	vadd.f32 v17, v0  }
0x1d6: {  	v20 =	vld [tilespmem:s13+$0x110]  }
0x1d7: {  	v0 =	vadd.f32 v18, v0  }
0x1d8: {  	v21 =	vld [tilespmem:s13+$0x150]  }
0x1d9: {  	v0 =	vadd.f32 v19, v0  }
0x1da: {  	v22 =	vld [tilespmem:s13+$0x190]  }
0x1db: {  	v0 =	vadd.f32 v20, v0  }
0x1dc: {  	v23 =	vld [tilespmem:s13+$0x1D0]  }
0x1dd: {  	v0 =	vadd.f32 v21, v0  }
0x1de: {  	v24 =	vld [tilespmem:s13+$0x210]  }
0x1df: {  	v0 =	vadd.f32 v22, v0  }
0x1e0: {  	v25 =	vld [tilespmem:s13+$0x250]  }
0x1e1: {  	v0 =	vadd.f32 v23, v0;
	_ =	sdelay $0x1  }
0x1e2: {  	v0 =	vadd.f32 v24, v0;
	_ =	sdelay $0x1  }
0x1e3: {  	v0 =	vadd.f32 v25, v0;
	_ =	sdelay $0x1  }
0x1e4: {  	v0 =	vsub.f32 $0.0e+00, v0;
	_ =	sdelay $0x1  }
0x1e5: {  	v0 =	vmul.f32 $1.442695020e+00, v0;
	_ =	sdelay $0x1  }
0x1e6: {  	(erf) = vpow2.f32 v0;
	_ =	sdelay $0x8  }
0x1e7: {  	v0 =	vpop (erf)  }
0x1e8: {  	v0 =	vadd.f32 $1.000000000e+00, v0;
	_ =	sdelay $0x1  }
0x1e9: {  	(erf) = vrcp.f32 v0;
	_ =	sdelay $0x8  }
0x1ea: {  	v0 =	vpop (erf)  }
0x1eb: {  	[tilespmem:s14+$0x15A10] =	vst v0  }
0x1ec: {  	v0 =	vld [tilespmem:s13+$0xFFFFFDA0]  }
0x1ed: {  	v26 =	vld [tilespmem:s13+$0xFFFFFDE0];
	_ =	sdelay $0x1  }
0x1ee: {  	v27 =	vld [tilespmem:s13+$0xFFFFFE20];
	_ =	sdelay $0x1  }
0x1ef: {  	v28 =	vld [tilespmem:s13+$0xFFFFFE60]  }
0x1f0: {  	v0 =	vadd.f32 v26, v0  }
0x1f1: {  	v29 =	vld [tilespmem:s13+$0xFFFFFEA0]  }
0x1f2: {  	v0 =	vadd.f32 v27, v0  }
0x1f3: {  	v30 =	vld [tilespmem:s13+$0xFFFFFEE0]  }
0x1f4: {  	v0 =	vadd.f32 v28, v0  }
0x1f5: {  	v31 =	vld [tilespmem:s13+$0xFFFFFF20]  }
0x1f6: {  	v0 =	vadd.f32 v29, v0  }
0x1f7: {  	v32 =	vld [tilespmem:s13+$0xFFFFFF60]  }
0x1f8: {  	v0 =	vadd.f32 v30, v0  }
0x1f9: {  	v33 =	vld [tilespmem:s13+$0xFFFFFFA0]  }
0x1fa: {  	v0 =	vadd.f32 v31, v0  }
0x1fb: {  	v34 =	vld [tilespmem:s13+$0xFFFFFFE0]  }
0x1fc: {  	v0 =	vadd.f32 v32, v0  }
0x1fd: {  	v35 =	vld [tilespmem:s13+$0x20]  }
0x1fe: {  	v0 =	vadd.f32 v33, v0  }
0x1ff: {  	v36 =	vld [tilespmem:s13+$0x60]  }
0x200: {  	v0 =	vadd.f32 v34, v0  }
0x201: {  	v37 =	vld [tilespmem:s13+$0xA0]  }
0x202: {  	v0 =	vadd.f32 v35, v0  }
0x203: {  	v38 =	vld [tilespmem:s13+$0xE0]  }
0x204: {  	v0 =	vadd.f32 v36, v0  }
0x205: {  	v39 =	vld [tilespmem:s13+$0x120]  }
0x206: {  	v0 =	vadd.f32 v37, v0  }
0x207: {  	v40 =	vld [tilespmem:s13+$0x160]  }
0x208: {  	v0 =	vadd.f32 v38, v0  }
0x209: {  	v41 =	vld [tilespmem:s13+$0x1A0]  }
0x20a: {  	v0 =	vadd.f32 v39, v0  }
0x20b: {  	v42 =	vld [tilespmem:s13+$0x1E0]  }
0x20c: {  	v0 =	vadd.f32 v40, v0  }
0x20d: {  	v43 =	vld [tilespmem:s13+$0x220]  }
0x20e: {  	v0 =	vadd.f32 v41, v0  }
0x20f: {  	v44 =	vld [tilespmem:s13+$0x260]  }
0x210: {  	v0 =	vadd.f32 v42, v0;
	_ =	sdelay $0x1  }
0x211: {  	v0 =	vadd.f32 v43, v0;
	_ =	sdelay $0x1  }
0x212: {  	v0 =	vadd.f32 v44, v0;
	_ =	sdelay $0x1  }
0x213: {  	v0 =	vsub.f32 $0.0e+00, v0;
	_ =	sdelay $0x1  }
0x214: {  	v0 =	vmul.f32 $1.442695020e+00, v0;
	_ =	sdelay $0x1  }
0x215: {  	(erf) = vpow2.f32 v0;
	_ =	sdelay $0x8  }
0x216: {  	v0 =	vpop (erf)  }
0x217: {  	v0 =	vadd.f32 $1.000000000e+00, v0;
	_ =	sdelay $0x1  }
0x218: {  	(erf) = vrcp.f32 v0;
	_ =	sdelay $0x8  }
0x219: {  	v0 =	vpop (erf)  }
0x21a: {  	[tilespmem:s14+$0x15A20] =	vst v0  }
0x21b: {  	v0 =	vld [tilespmem:s13+$0xFFFFFDB0]  }
0x21c: {  	v45 =	vld [tilespmem:s13+$0xFFFFFDF0];
	_ =	sdelay $0x1  }
0x21d: {  	v46 =	vld [tilespmem:s13+$0xFFFFFE30];
	_ =	sdelay $0x1  }
0x21e: {  	v47 =	vld [tilespmem:s13+$0xFFFFFE70]  }
0x21f: {  	v0 =	vadd.f32 v45, v0  }
0x220: {  	v48 =	vld [tilespmem:s13+$0xFFFFFEB0]  }
0x221: {  	v0 =	vadd.f32 v46, v0  }
0x222: {  	v49 =	vld [tilespmem:s13+$0xFFFFFEF0]  }
0x223: {  	v0 =	vadd.f32 v47, v0  }
0x224: {  	v50 =	vld [tilespmem:s13+$0xFFFFFF30]  }
0x225: {  	v0 =	vadd.f32 v48, v0  }
0x226: {  	v51 =	vld [tilespmem:s13+$0xFFFFFF70]  }
0x227: {  	v0 =	vadd.f32 v49, v0  }
0x228: {  	v52 =	vld [tilespmem:s13+$0xFFFFFFB0]  }
0x229: {  	v0 =	vadd.f32 v50, v0  }
0x22a: {  	v53 =	vld [tilespmem:s13+$0xFFFFFFF0]  }
0x22b: {  	v0 =	vadd.f32 v51, v0  }
0x22c: {  	v54 =	vld [tilespmem:s13+$0x30]  }
0x22d: {  	v0 =	vadd.f32 v52, v0  }
0x22e: {  	v55 =	vld [tilespmem:s13+$0x70]  }
0x22f: {  	v0 =	vadd.f32 v53, v0  }
0x230: {  	v56 =	vld [tilespmem:s13+$0xB0]  }
0x231: {  	v0 =	vadd.f32 v54, v0  }
0x232: {  	v57 =	vld [tilespmem:s13+$0xF0]  }
0x233: {  	v0 =	vadd.f32 v55, v0  }
0x234: {  	v58 =	vld [tilespmem:s13+$0x130]  }
0x235: {  	v0 =	vadd.f32 v56, v0  }
0x236: {  	v59 =	vld [tilespmem:s13+$0x170]  }
0x237: {  	v0 =	vadd.f32 v57, v0  }
0x238: {  	v60 =	vld [tilespmem:s13+$0x1B0]  }
0x239: {  	v0 =	vadd.f32 v58, v0  }
0x23a: {  	v61 =	vld [tilespmem:s13+$0x1F0]  }
0x23b: {  	v0 =	vadd.f32 v59, v0  }
0x23c: {  	v62 =	vld [tilespmem:s13+$0x230]  }
0x23d: {  	v0 =	vadd.f32 v60, v0  }
0x23e: {  	v63 =	vld [tilespmem:s13+$0x270]  }
0x23f: {  	v0 =	vadd.f32 v61, v0;
	_ =	sdelay $0x1  }
0x240: {  	v0 =	vadd.f32 v62, v0;
	_ =	sdelay $0x1  }
0x241: {  	v0 =	vadd.f32 v63, v0;
	_ =	sdelay $0x1  }
0x242: {  	v0 =	vsub.f32 $0.0e+00, v0;
	_ =	sdelay $0x1  }
0x243: {  	v0 =	vmul.f32 $1.442695020e+00, v0;
	_ =	sdelay $0x1  }
0x244: {  	(erf) = vpow2.f32 v0;
	_ =	sdelay $0x8  }
0x245: {  	v0 =	vpop (erf)  }
0x246: {  	v0 =	vadd.f32 $1.000000000e+00, v0;
	_ =	sdelay $0x1  }
0x247: {  	s15 =	simm.s32 $0x100;
	(erf) = vrcp.f32 v0  }
.LBB2_4:
0x248: {  	_ =	sdelay $0x3  }
0x249: {  	p0 =	sne.s32 s15, $0x3F00  }
0x24a: {  	s13 =	sadd.s32 $0x500, s13;
	s16 =	smov.u32 s15;
	s15 =	sadd.s32 $0x100, s15  }
0x24b: {  	_ =	sdelay $0x1  }
0x24c: {  	v0 =	vpop (erf)  }
0x24d: {  	[tilespmem:s14+$0x15A30] =	vst v0  }
0x24e: {  	v0 =	vld [tilespmem:s13+$0xFFFFFDC0]  }
0x24f: {  	v1 =	vld [tilespmem:s13+$0xFFFFFD80];
	_ =	sdelay $0x1  }
0x250: {  	v2 =	vld [tilespmem:s13+$0xFFFFFE00];
	_ =	sdelay $0x1  }
0x251: {  	v3 =	vld [tilespmem:s13+$0xFFFFFE40]  }
0x252: {  	v0 =	vadd.f32 v0, v1  }
0x253: {  	v1 =	vld [tilespmem:s13+$0xFFFFFE80]  }
0x254: {  	v0 =	vadd.f32 v2, v0  }
0x255: {  	v2 =	vld [tilespmem:s13+$0xFFFFFEC0]  }
0x256: {  	v0 =	vadd.f32 v3, v0  }
0x257: {  	v3 =	vld [tilespmem:s13+$0xFFFFFF00]  }
0x258: {  	v0 =	vadd.f32 v1, v0  }
0x259: {  	v1 =	vld [tilespmem:s13+$0xFFFFFF40]  }
0x25a: {  	v0 =	vadd.f32 v2, v0  }
0x25b: {  	v2 =	vld [tilespmem:s13+$0xFFFFFF80]  }
0x25c: {  	v0 =	vadd.f32 v3, v0  }
0x25d: {  	v3 =	vld [tilespmem:s13+$0xFFFFFFC0]  }
0x25e: {  	v0 =	vadd.f32 v1, v0  }
0x25f: {  	v1 =	vld [tilespmem:s13+$0x0]  }
0x260: {  	v0 =	vadd.f32 v2, v0  }
0x261: {  	v2 =	vld [tilespmem:s13+$0x40]  }
0x262: {  	v0 =	vadd.f32 v3, v0  }
0x263: {  	v3 =	vld [tilespmem:s13+$0x80]  }
0x264: {  	v0 =	vadd.f32 v1, v0  }
0x265: {  	v1 =	vld [tilespmem:s13+$0xC0]  }
0x266: {  	v0 =	vadd.f32 v2, v0  }
0x267: {  	v2 =	vld [tilespmem:s13+$0x100]  }
0x268: {  	v0 =	vadd.f32 v3, v0  }
0x269: {  	v3 =	vld [tilespmem:s13+$0x140]  }
0x26a: {  	v0 =	vadd.f32 v1, v0  }
0x26b: {  	v1 =	vld [tilespmem:s13+$0x180]  }
0x26c: {  	v0 =	vadd.f32 v2, v0  }
0x26d: {  	v2 =	vld [tilespmem:s13+$0x1C0]  }
0x26e: {  	v0 =	vadd.f32 v3, v0  }
0x26f: {  	v3 =	vld [tilespmem:s13+$0x200]  }
0x270: {  	v0 =	vadd.f32 v1, v0  }
0x271: {  	v1 =	vld [tilespmem:s13+$0x240]  }
0x272: {  	v0 =	vadd.f32 v2, v0;
	_ =	sdelay $0x1  }
0x273: {  	v0 =	vadd.f32 v3, v0;
	_ =	sdelay $0x1  }
0x274: {  	v0 =	vadd.f32 v1, v0;
	_ =	sdelay $0x1  }
0x275: {  	v0 =	vsub.f32 $0.0e+00, v0;
	_ =	sdelay $0x1  }
0x276: {  	v0 =	vmul.f32 $1.442695020e+00, v0;
	_ =	sdelay $0x1  }
0x277: {  	(erf) = vpow2.f32 v0;
	_ =	sdelay $0x8  }
0x278: {  	v0 =	vpop (erf)  }
0x279: {  	v0 =	vadd.f32 $1.000000000e+00, v0;
	_ =	sdelay $0x1  }
0x27a: {  	(erf) = vrcp.f32 v0;
	_ =	sdelay $0x8  }
0x27b: {  	s14 =	sshra.s32 s16, $0x2;
	v0 =	vpop (erf)  }
0x27c: {  	[tilespmem:s14+$0x15A00] =	vst v0  }
0x27d: {  	v0 =	vld [tilespmem:s13+$0xFFFFFD90]  }
0x27e: {  	v1 =	vld [tilespmem:s13+$0xFFFFFDD0];
	_ =	sdelay $0x1  }
0x27f: {  	v2 =	vld [tilespmem:s13+$0xFFFFFE10];
	_ =	sdelay $0x1  }
0x280: {  	v3 =	vld [tilespmem:s13+$0xFFFFFE50]  }
0x281: {  	v0 =	vadd.f32 v1, v0  }
0x282: {  	v1 =	vld [tilespmem:s13+$0xFFFFFE90]  }
0x283: {  	v0 =	vadd.f32 v2, v0  }
0x284: {  	v2 =	vld [tilespmem:s13+$0xFFFFFED0]  }
0x285: {  	v0 =	vadd.f32 v3, v0  }
0x286: {  	v3 =	vld [tilespmem:s13+$0xFFFFFF10]  }
0x287: {  	v0 =	vadd.f32 v1, v0  }
0x288: {  	v1 =	vld [tilespmem:s13+$0xFFFFFF50]  }
0x289: {  	v0 =	vadd.f32 v2, v0  }
0x28a: {  	v2 =	vld [tilespmem:s13+$0xFFFFFF90]  }
0x28b: {  	v0 =	vadd.f32 v3, v0  }
0x28c: {  	v3 =	vld [tilespmem:s13+$0xFFFFFFD0]  }
0x28d: {  	v0 =	vadd.f32 v1, v0  }
0x28e: {  	v1 =	vld [tilespmem:s13+$0x10]  }
0x28f: {  	v0 =	vadd.f32 v2, v0  }
0x290: {  	v2 =	vld [tilespmem:s13+$0x50]  }
0x291: {  	v0 =	vadd.f32 v3, v0  }
0x292: {  	v3 =	vld [tilespmem:s13+$0x90]  }
0x293: {  	v0 =	vadd.f32 v1, v0  }
0x294: {  	v1 =	vld [tilespmem:s13+$0xD0]  }
0x295: {  	v0 =	vadd.f32 v2, v0  }
0x296: {  	v2 =	vld [tilespmem:s13+$0x110]  }
0x297: {  	v0 =	vadd.f32 v3, v0  }
0x298: {  	v3 =	vld [tilespmem:s13+$0x150]  }
0x299: {  	v0 =	vadd.f32 v1, v0  }
0x29a: {  	v1 =	vld [tilespmem:s13+$0x190]  }
0x29b: {  	v0 =	vadd.f32 v2, v0  }
0x29c: {  	v2 =	vld [tilespmem:s13+$0x1D0]  }
0x29d: {  	v0 =	vadd.f32 v3, v0  }
0x29e: {  	v3 =	vld [tilespmem:s13+$0x210]  }
0x29f: {  	v0 =	vadd.f32 v1, v0  }
0x2a0: {  	v1 =	vld [tilespmem:s13+$0x250]  }
0x2a1: {  	v0 =	vadd.f32 v2, v0;
	_ =	sdelay $0x1  }
0x2a2: {  	v0 =	vadd.f32 v3, v0;
	_ =	sdelay $0x1  }
0x2a3: {  	v0 =	vadd.f32 v1, v0;
	_ =	sdelay $0x1  }
0x2a4: {  	v0 =	vsub.f32 $0.0e+00, v0;
	_ =	sdelay $0x1  }
0x2a5: {  	v0 =	vmul.f32 $1.442695020e+00, v0;
	_ =	sdelay $0x1  }
0x2a6: {  	(erf) = vpow2.f32 v0;
	_ =	sdelay $0x8  }
0x2a7: {  	v0 =	vpop (erf)  }
0x2a8: {  	v0 =	vadd.f32 $1.000000000e+00, v0;
	_ =	sdelay $0x1  }
0x2a9: {  	(erf) = vrcp.f32 v0;
	_ =	sdelay $0x8  }
0x2aa: {  	v0 =	vpop (erf)  }
0x2ab: {  	[tilespmem:s14+$0x15A10] =	vst v0  }
0x2ac: {  	v0 =	vld [tilespmem:s13+$0xFFFFFDA0]  }
0x2ad: {  	v1 =	vld [tilespmem:s13+$0xFFFFFDE0];
	_ =	sdelay $0x1  }
0x2ae: {  	v2 =	vld [tilespmem:s13+$0xFFFFFE20];
	_ =	sdelay $0x1  }
0x2af: {  	v3 =	vld [tilespmem:s13+$0xFFFFFE60]  }
0x2b0: {  	v0 =	vadd.f32 v1, v0  }
0x2b1: {  	v1 =	vld [tilespmem:s13+$0xFFFFFEA0]  }
0x2b2: {  	v0 =	vadd.f32 v2, v0  }
0x2b3: {  	v2 =	vld [tilespmem:s13+$0xFFFFFEE0]  }
0x2b4: {  	v0 =	vadd.f32 v3, v0  }
0x2b5: {  	v3 =	vld [tilespmem:s13+$0xFFFFFF20]  }
0x2b6: {  	v0 =	vadd.f32 v1, v0  }
0x2b7: {  	v1 =	vld [tilespmem:s13+$0xFFFFFF60]  }
0x2b8: {  	v0 =	vadd.f32 v2, v0  }
0x2b9: {  	v2 =	vld [tilespmem:s13+$0xFFFFFFA0]  }
0x2ba: {  	v0 =	vadd.f32 v3, v0  }
0x2bb: {  	v3 =	vld [tilespmem:s13+$0xFFFFFFE0]  }
0x2bc: {  	v0 =	vadd.f32 v1, v0  }
0x2bd: {  	v1 =	vld [tilespmem:s13+$0x20]  }
0x2be: {  	v0 =	vadd.f32 v2, v0  }
0x2bf: {  	v2 =	vld [tilespmem:s13+$0x60]  }
0x2c0: {  	v0 =	vadd.f32 v3, v0  }
0x2c1: {  	v3 =	vld [tilespmem:s13+$0xA0]  }
0x2c2: {  	v0 =	vadd.f32 v1, v0  }
0x2c3: {  	v1 =	vld [tilespmem:s13+$0xE0]  }
0x2c4: {  	v0 =	vadd.f32 v2, v0  }
0x2c5: {  	v2 =	vld [tilespmem:s13+$0x120]  }
0x2c6: {  	v0 =	vadd.f32 v3, v0  }
0x2c7: {  	v3 =	vld [tilespmem:s13+$0x160]  }
0x2c8: {  	v0 =	vadd.f32 v1, v0  }
0x2c9: {  	v1 =	vld [tilespmem:s13+$0x1A0]  }
0x2ca: {  	v0 =	vadd.f32 v2, v0  }
0x2cb: {  	v2 =	vld [tilespmem:s13+$0x1E0]  }
0x2cc: {  	v0 =	vadd.f32 v3, v0  }
0x2cd: {  	v3 =	vld [tilespmem:s13+$0x220]  }
0x2ce: {  	v0 =	vadd.f32 v1, v0  }
0x2cf: {  	v1 =	vld [tilespmem:s13+$0x260]  }
0x2d0: {  	v0 =	vadd.f32 v2, v0;
	_ =	sdelay $0x1  }
0x2d1: {  	v0 =	vadd.f32 v3, v0;
	_ =	sdelay $0x1  }
0x2d2: {  	v0 =	vadd.f32 v1, v0;
	_ =	sdelay $0x1  }
0x2d3: {  	v0 =	vsub.f32 $0.0e+00, v0;
	_ =	sdelay $0x1  }
0x2d4: {  	v0 =	vmul.f32 $1.442695020e+00, v0;
	_ =	sdelay $0x1  }
0x2d5: {  	(erf) = vpow2.f32 v0;
	_ =	sdelay $0x8  }
0x2d6: {  	v0 =	vpop (erf)  }
0x2d7: {  	v0 =	vadd.f32 $1.000000000e+00, v0;
	_ =	sdelay $0x1  }
0x2d8: {  	(erf) = vrcp.f32 v0;
	_ =	sdelay $0x8  }
0x2d9: {  	v0 =	vpop (erf)  }
0x2da: {  	[tilespmem:s14+$0x15A20] =	vst v0  }
0x2db: {  	v0 =	vld [tilespmem:s13+$0xFFFFFDB0]  }
0x2dc: {  	v1 =	vld [tilespmem:s13+$0xFFFFFDF0]  }
0x2dd: {  	v2 =	vld [tilespmem:s13+$0xFFFFFE30]  }
0x2de: {  	v3 =	vld [tilespmem:s13+$0xFFFFFE70]  }
0x2df: {  	v4 =	vld [tilespmem:s13+$0xFFFFFEB0]  }
0x2e0: {  	v5 =	vld [tilespmem:s13+$0xFFFFFEF0]  }
0x2e1: {  	v0 =	vadd.f32 v1, v0;
	v1 =	vld [tilespmem:s13+$0xFFFFFF30]  }
0x2e2: {  	v6 =	vld [tilespmem:s13+$0xFFFFFF70]  }
0x2e3: {  	v0 =	vadd.f32 v2, v0;
	v2 =	vld [tilespmem:s13+$0xFFFFFFB0]  }
0x2e4: {  	v7 =	vld [tilespmem:s13+$0xFFFFFFF0]  }
0x2e5: {  	v0 =	vadd.f32 v3, v0;
	v3 =	vld [tilespmem:s13+$0x30]  }
0x2e6: {  	v8 =	vld [tilespmem:s13+$0x70]  }
0x2e7: {  	v0 =	vadd.f32 v4, v0;
	v4 =	vld [tilespmem:s13+$0xB0]  }
0x2e8: {  	v9 =	vld [tilespmem:s13+$0xF0]  }
0x2e9: {  	v0 =	vadd.f32 v5, v0;
	v5 =	vld [tilespmem:s13+$0x130]  }
0x2ea: {  	v10 =	vld [tilespmem:s13+$0x170]  }
0x2eb: {  	v0 =	vadd.f32 v1, v0;
	v1 =	vld [tilespmem:s13+$0x1B0]  }
0x2ec: {  	v11 =	vld [tilespmem:s13+$0x1F0]  }
0x2ed: {  	v0 =	vadd.f32 v6, v0;
	v6 =	vld [tilespmem:s13+$0x230]  }
0x2ee: {  	v12 =	vld [tilespmem:s13+$0x270]  }
0x2ef: {  	v0 =	vadd.f32 v2, v0;
	_ =	sdelay $0x1  }
0x2f0: {  	v0 =	vadd.f32 v7, v0;
	_ =	sdelay $0x1  }
0x2f1: {  	v0 =	vadd.f32 v3, v0;
	_ =	sdelay $0x1  }
0x2f2: {  	v0 =	vadd.f32 v8, v0;
	_ =	sdelay $0x1  }
0x2f3: {  	v0 =	vadd.f32 v4, v0;
	_ =	sdelay $0x1  }
0x2f4: {  	v0 =	vadd.f32 v9, v0;
	_ =	sdelay $0x1  }
0x2f5: {  	v0 =	vadd.f32 v5, v0;
	_ =	sdelay $0x1  }
0x2f6: {  	v0 =	vadd.f32 v10, v0;
	_ =	sdelay $0x1  }
0x2f7: {  	v0 =	vadd.f32 v1, v0;
	_ =	sdelay $0x1  }
0x2f8: {  	v0 =	vadd.f32 v11, v0;
	_ =	sdelay $0x1  }
0x2f9: {  	v0 =	vadd.f32 v6, v0;
	_ =	sdelay $0x1  }
0x2fa: {  	v0 =	vadd.f32 v12, v0;
	_ =	sdelay $0x1  }
0x2fb: {  	v0 =	vsub.f32 $0.0e+00, v0;
	_ =	sdelay $0x1  }
0x2fc: {  	v0 =	vmul.f32 $1.442695020e+00, v0;
	_ =	sdelay $0x1  }
0x2fd: {  	(erf) = vpow2.f32 v0;
	_ =	sdelay $0x7  }
.Ltmp1:
0x2fe: {  	(pc) =	sbr.rel @p0 .LBB2_4-.Ltmp1, $3  }
0x2ff: {  	v0 =	vpop (erf)  }
0x300: {  	v0 =	vadd.f32 $1.000000000e+00, v0;
	_ =	sdelay $0x1  }
0x301: {  	(erf) = vrcp.f32 v0  }
0x302: {  	_ =	sdelay $0x6  }
0x303: {  	s12 =	sadd.s32 $0x1, s12  }
0x304: {  	p0 =	sne.s32 s12, s6;
	v0 =	vpop (erf)  }
.Ltmp2:
0x305: {  	[tilespmem:s14+$0x15A30] =	vst v0;
	(pc) =	sbr.rel @p0 .LBB2_1-.Ltmp2, $4  }
0x306: {  	[hbm4b:s5+s2] =	stream.linear.scatter [tilespmem:s11], [sflag:$0x2], $0x2000, $0x38;
	[tilespmem:$0x16A00] =	vst v63  }
0x307: {  	_ =	swait.ge [sflag:s7], $0x2000  }
0x308: {  	[sflag:s7] =	ssyncset.done $0x0  }
0x309: {  	[sflag:s7] =	ssyncadd.s32 $0xFFFFE000  }
0x30a: {  	_ =	sfence.sel $0x180000  }
0x30b: {  	[bflag:$0x0] =	sbarrier.arrive $0xFFFF  }
0x30c: {  	p0 =	sne.s32 s0, $0x0;
	_ =	strace $0x90000047  }
0x30d: {  	s0 =	sadd.s32 @!p0 $0x100000, s1;
	[bflag:$0x2] =	sbarrier.arrive $0xFFFF  }
0x30e: {  	[sflag:s0] =	ssyncadd.tile.s32 @!p0 $0x1;
	_ =	shalt  }
.Lfunc_end2:
_tile_overlayer_lowered:
.L_overlay_start_2:
0x30f: {  	(tag) =	ssettag $0x2  }
0x310: {  	s0 =	rddreg [dreg:$0x0];
	s2 =	stileid.u32  }
0x311: {  	s1 =	rddreg [dreg:$0x1];
	p0 =	sne.s32 s2, $0x0  }
0x312: {  	s3 =	rddreg [dreg:$0x2];
	[bflag:$0x3] =	sbarrier.arrive $0xFFFF;
	s2 =	simm.s32 @!p0 $0x1C02  }
0x313: {  	[timem:s3], [sflag:s2] =	dma.local @!p0 [hbm:s0], s1  }
0x314: {  	s0 =	simm.s32 @!p0 $0x2  }
0x315: {  	_ =	swait.ge @!p0 [sflag:s0], s1  }
0x316: {  	s1 =	ssub.s32 @!p0 $0x0, s1;
	[sflag:s0] =	ssyncset.done @!p0 $0x0  }
0x317: {  	[sflag:s0] =	ssyncadd.s32 @!p0 s1  }
0x318: {  	[bflag:$0x3] =	sbarrier.arrive $0xFFFF  }
0x319: {  	_ =	shalt  }

</sc_bundles>
